<compile_context>
chip_gen: v7x
topology: tpu7x:2x2x1
jax: 0.10.2.dev20260603
libtpu: 0.0.44.dev20260713+nightly
codegen_flags: <defaults>
</compile_context>

<pallas_src>
import functools

import jax
import jax.numpy as jnp
from jax import lax
from jax.experimental import pallas as pl
from jax.experimental.pallas import tpu as pltpu
from jax.experimental.pallas import tpu_sc as plsc

F = 26
K = 16
L = 16
NC = 2
NS = 16
SROW = 32


@functools.lru_cache(maxsize=None)
def _build_spair():
    mesh = plsc.VectorSubcoreMesh(core_axis_name="c", subcore_axis_name="s")

    @functools.partial(
        pl.kernel,
        mesh=mesh,
        out_type=jax.ShapeDtypeStruct((SROW * SROW,), jnp.float32),
        compiler_params=pltpu.CompilerParams(needs_layout_passes=False),
        scratch_types=[
            pltpu.VMEM((F * F * K,), jnp.float32),
            pltpu.VMEM((SROW,), jnp.float32),
            pltpu.SemaphoreType.DMA,
        ],
    )
    def spair(emb_hbm, out_hbm, emb_v, out_v, sem):
        cid = lax.axis_index("c")
        sid = lax.axis_index("s")
        w = sid * NC + cid
        i = jnp.minimum(w, F - 1)
        pltpu.sync_copy(emb_hbm, emb_v)
        lane = lax.iota(jnp.int32, L)
        for g in range(SROW // L):
            jv = jnp.minimum(lane + g * L, F - 1)
            acc = jnp.full((L,), 0.0, jnp.float32)
            for k in range(K):
                a = plsc.load_gather(emb_v, [(i * F + jv) * K + k])
                c = plsc.load_gather(emb_v, [(jv * F + i) * K + k])
                acc = acc + a * c
            out_v[pl.ds(g * L, L)] = acc
        pltpu.sync_copy(out_v, out_hbm.at[pl.ds(w * SROW, SROW)])

    return spair


def _tc_body(x_ref, s_ref, w_ref, b_ref, o_ref):
    x = x_ref[...]
    s = s_ref[...][:F, :F]
    ri = lax.broadcasted_iota(jnp.int32, (F, F), 0)
    ci = lax.broadcasted_iota(jnp.int32, (F, F), 1)
    a = jnp.where(ri == ci, 0.0, s) * 0.5
    xa = jnp.dot(x, a, preferred_element_type=jnp.float32)
    t = x * (xa + w_ref[...])
    o_ref[...] = jnp.sum(t, axis=1, keepdims=True) + b_ref[...]


@functools.lru_cache(maxsize=None)
def _build_tc(B, BT):
    return pl.pallas_call(
        _tc_body,
        grid=(B // BT,),
        in_specs=[
            pl.BlockSpec((BT, F), lambda j: (j, 0)),
            pl.BlockSpec((SROW, SROW), lambda j: (0, 0)),
            pl.BlockSpec((1, F), lambda j: (0, 0)),
            pl.BlockSpec((1, 1), lambda j: (0, 0)),
        ],
        out_specs=pl.BlockSpec((BT, 1), lambda j: (j, 0)),
        out_shape=jax.ShapeDtypeStruct((B, 1), jnp.float32),
    )


def kernel(x, emb, W, b):
    B = x.shape[0]
    sflat = _build_spair()(emb.reshape(-1))
    s_pad = sflat.reshape(SROW, SROW)
    bt = min(B, 2048)
    return _build_tc(B, bt)(x, s_pad, W, b.reshape(1, 1))

# --- scband reference (transcript-rebuilt; emitter-appended) ---
"""Pipeline reference for scband-ffm-19189913878982 (READ-ONLY COPY).

The authoritative reference and input builder live on the scoring server;
editing this copy changes nothing except your own understanding.
"""

import jax, jax.numpy as jnp
import numpy as np

F = 26
K = 16
B = 16384
FEATURE_FIELD = np.arange(F, dtype=np.int64)  # feature i belongs to field i


def setup_inputs(seed: int = 0) -> dict:
    key = jax.random.key(seed)
    k1, k2, k3 = jax.random.split(key, 3)
    x = jax.random.normal(k1, (B, F), dtype=jnp.float32)
    # learned params per init_kwargs: feature_embeddings [input_size, field_size, n_factors]
    emb = jax.random.normal(k2, (F, F, K), dtype=jnp.float32)
    # nn.Linear(input_size, 1): weight [1, F], bias [1]
    W = jax.random.normal(k3, (1, F), dtype=jnp.float32) * (1.0 / np.sqrt(F))
    b = jnp.zeros((1,), dtype=jnp.float32)
    return {"x": x, "emb": emb, "W": W, "b": b}


def reference(x, emb, W, b):
    field = jnp.asarray(FEATURE_FIELD)
    # first order: nn.Linear
    first_order = x @ W.T + b  # [B, 1]
    # second order: sum_{i<j} <V[i, field[j]], V[j, field[i]]> * x_i * x_j
    # Vifj[i, j, :] = emb[i, field[j], :] (gather over field axis)
    Vifj = jnp.take(emb, field, axis=1)          # [F, F, K]
    Vjfi = jnp.swapaxes(Vifj, 0, 1)              # Vjfi[i, j, :] = emb[j, field[i], :]
    S = jnp.sum(Vifj * Vjfi, axis=-1)            # [F, F] pairwise interaction weights
    mask = jnp.triu(jnp.ones((F, F), dtype=jnp.float32), k=1)  # strict upper: i < j
    second_order = jnp.einsum('bi,bj,ij->b', x, x, S * mask)[:, None]  # [B, 1]
    out = first_order + second_order
    return out

if __name__ == "__main__":
    import jax
    _d = setup_inputs()
    print(jax.jit(kernel)(*tuple(_d.values())))

</pallas_src>

<mosaic_0001>
#map = affine_map<(d0, d1) -> (0)>
module attributes {stable_mosaic.version = 14 : i64} {
  func.func @spair(%arg0: i32, %arg1: i32, %arg2: memref<10816xf32, #tpu.memory_space<hbm>>, %arg3: memref<1024xf32, #tpu.memory_space<hbm>>, %arg4: memref<10816xf32, #tpu.memory_space<vmem>>, %arg5: memref<32xf32, #tpu.memory_space<vmem>>, %arg6: memref<!tpu.dma_semaphore, #tpu.memory_space<semaphore_mem>>) attributes {dimension_semantics = [#tpu.dimension_semantics<core_parallel>, #tpu.dimension_semantics<subcore_parallel>], iteration_bounds = array<i64: 2, 16>, scalar_prefetch = 0 : i64, scratch_operands = 3 : i64, tpu.core_type = #tpu.core_type<sc_vector_subcore>, window_params = [{transform_indices = #map}, {transform_indices = #map}]} {
    %mul3A = arith.constant 2 : i32
    %mul3A_0 = arith.muli %arg1, %mul3A : i32
    %add3A = arith.addi %mul3A_0, %arg0 : i32
    %min3A = arith.constant 25 : i32
    %min3A_1 = arith.minsi %add3A, %min3A : i32
    "tpu.region"() ({
      %run_scoped3A = tpu.sem_alloc : memref<!tpu.dma_semaphore, #tpu.memory_space<semaphore_mem>>
      tpu.enqueue_dma source(%arg2 : memref<10816xf32, #tpu.memory_space<hbm>>) target(%arg4 : memref<10816xf32, #tpu.memory_space<vmem>>) target_semaphore(%run_scoped3A : memref<!tpu.dma_semaphore, #tpu.memory_space<semaphore_mem>>)
      tpu.wait_dma2 semaphore(%run_scoped3A : memref<!tpu.dma_semaphore, #tpu.memory_space<semaphore_mem>>) src(%arg2 : memref<10816xf32, #tpu.memory_space<hbm>>) dst(%arg4 : memref<10816xf32, #tpu.memory_space<vmem>>)
      tpu.yield
    }) : () -> ()
    %iota3A = tpu.iota {dimensions = array<i32: 0>} : vector<16xi32>
    %add3A_2 = arith.constant 0 : i32
    %add3A_3 = vector.broadcast %add3A_2 : i32 to vector<16xi32>
    %add3A_4 = arith.addi %iota3A, %add3A_3 : vector<16xi32>
    %min3A_5 = arith.constant 25 : i32
    %min3A_6 = vector.broadcast %min3A_5 : i32 to vector<16xi32>
    %min3A_7 = arith.minsi %add3A_4, %min3A_6 : vector<16xi32>
    %broadcast_in_dim3A = arith.constant 0.000000e+00 : f32
    %broadcast_in_dim3A_8 = vector.broadcast %broadcast_in_dim3A : f32 to vector<16xf32>
    %mul3A_9 = arith.constant 26 : i32
    %mul3A_10 = arith.muli %min3A_1, %mul3A_9 : i32
    %add3A_11 = vector.broadcast %mul3A_10 : i32 to vector<16xi32>
    %add3A_12 = arith.addi %add3A_11, %min3A_7 : vector<16xi32>
    %mul3A_13 = arith.constant 16 : i32
    %mul3A_14 = vector.broadcast %mul3A_13 : i32 to vector<16xi32>
    %mul3A_15 = arith.muli %add3A_12, %mul3A_14 : vector<16xi32>
    %add3A_16 = arith.constant 0 : i32
    %add3A_17 = vector.broadcast %add3A_16 : i32 to vector<16xi32>
    %add3A_18 = arith.addi %mul3A_15, %add3A_17 : vector<16xi32>
    %gather3A = tpu.vector_load_idx %arg4[%add3A_18] : memref<10816xf32, #tpu.memory_space<vmem>>[vector<16xi32>], vector<16xf32>,
    %mul3A_19 = arith.constant 26 : i32
    %mul3A_20 = vector.broadcast %mul3A_19 : i32 to vector<16xi32>
    %mul3A_21 = arith.muli %min3A_7, %mul3A_20 : vector<16xi32>
    %add3A_22 = vector.broadcast %min3A_1 : i32 to vector<16xi32>
    %add3A_23 = arith.addi %mul3A_21, %add3A_22 : vector<16xi32>
    %mul3A_24 = arith.constant 16 : i32
    %mul3A_25 = vector.broadcast %mul3A_24 : i32 to vector<16xi32>
    %mul3A_26 = arith.muli %add3A_23, %mul3A_25 : vector<16xi32>
    %add3A_27 = arith.constant 0 : i32
    %add3A_28 = vector.broadcast %add3A_27 : i32 to vector<16xi32>
    %add3A_29 = arith.addi %mul3A_26, %add3A_28 : vector<16xi32>
    %gather3A_30 = tpu.vector_load_idx %arg4[%add3A_29] : memref<10816xf32, #tpu.memory_space<vmem>>[vector<16xi32>], vector<16xf32>,
    %mul3A_31 = arith.mulf %gather3A, %gather3A_30 : vector<16xf32>
    %add3A_32 = arith.addf %broadcast_in_dim3A_8, %mul3A_31 : vector<16xf32>
    %mul3A_33 = arith.constant 26 : i32
    %mul3A_34 = arith.muli %min3A_1, %mul3A_33 : i32
    %add3A_35 = vector.broadcast %mul3A_34 : i32 to vector<16xi32>
    %add3A_36 = arith.addi %add3A_35, %min3A_7 : vector<16xi32>
    %mul3A_37 = arith.constant 16 : i32
    %mul3A_38 = vector.broadcast %mul3A_37 : i32 to vector<16xi32>
    %mul3A_39 = arith.muli %add3A_36, %mul3A_38 : vector<16xi32>
    %add3A_40 = arith.constant 1 : i32
    %add3A_41 = vector.broadcast %add3A_40 : i32 to vector<16xi32>
    %add3A_42 = arith.addi %mul3A_39, %add3A_41 : vector<16xi32>
    %gather3A_43 = tpu.vector_load_idx %arg4[%add3A_42] : memref<10816xf32, #tpu.memory_space<vmem>>[vector<16xi32>], vector<16xf32>,
    %mul3A_44 = arith.constant 26 : i32
    %mul3A_45 = vector.broadcast %mul3A_44 : i32 to vector<16xi32>
    %mul3A_46 = arith.muli %min3A_7, %mul3A_45 : vector<16xi32>
    %add3A_47 = vector.broadcast %min3A_1 : i32 to vector<16xi32>
    %add3A_48 = arith.addi %mul3A_46, %add3A_47 : vector<16xi32>
    %mul3A_49 = arith.constant 16 : i32
    %mul3A_50 = vector.broadcast %mul3A_49 : i32 to vector<16xi32>
    %mul3A_51 = arith.muli %add3A_48, %mul3A_50 : vector<16xi32>
    %add3A_52 = arith.constant 1 : i32
    %add3A_53 = vector.broadcast %add3A_52 : i32 to vector<16xi32>
    %add3A_54 = arith.addi %mul3A_51, %add3A_53 : vector<16xi32>
    %gather3A_55 = tpu.vector_load_idx %arg4[%add3A_54] : memref<10816xf32, #tpu.memory_space<vmem>>[vector<16xi32>], vector<16xf32>,
    %mul3A_56 = arith.mulf %gather3A_43, %gather3A_55 : vector<16xf32>
    %add3A_57 = arith.addf %add3A_32, %mul3A_56 : vector<16xf32>
    %mul3A_58 = arith.constant 26 : i32
    %mul3A_59 = arith.muli %min3A_1, %mul3A_58 : i32
    %add3A_60 = vector.broadcast %mul3A_59 : i32 to vector<16xi32>
    %add3A_61 = arith.addi %add3A_60, %min3A_7 : vector<16xi32>
    %mul3A_62 = arith.constant 16 : i32
    %mul3A_63 = vector.broadcast %mul3A_62 : i32 to vector<16xi32>
    %mul3A_64 = arith.muli %add3A_61, %mul3A_63 : vector<16xi32>
    %add3A_65 = arith.constant 2 : i32
    %add3A_66 = vector.broadcast %add3A_65 : i32 to vector<16xi32>
    %add3A_67 = arith.addi %mul3A_64, %add3A_66 : vector<16xi32>
    %gather3A_68 = tpu.vector_load_idx %arg4[%add3A_67] : memref<10816xf32, #tpu.memory_space<vmem>>[vector<16xi32>], vector<16xf32>,
    %mul3A_69 = arith.constant 26 : i32
    %mul3A_70 = vector.broadcast %mul3A_69 : i32 to vector<16xi32>
    %mul3A_71 = arith.muli %min3A_7, %mul3A_70 : vector<16xi32>
    %add3A_72 = vector.broadcast %min3A_1 : i32 to vector<16xi32>
    %add3A_73 = arith.addi %mul3A_71, %add3A_72 : vector<16xi32>
    %mul3A_74 = arith.constant 16 : i32
    %mul3A_75 = vector.broadcast %mul3A_74 : i32 to vector<16xi32>
    %mul3A_76 = arith.muli %add3A_73, %mul3A_75 : vector<16xi32>
    %add3A_77 = arith.constant 2 : i32
    %add3A_78 = vector.broadcast %add3A_77 : i32 to vector<16xi32>
    %add3A_79 = arith.addi %mul3A_76, %add3A_78 : vector<16xi32>
    %gather3A_80 = tpu.vector_load_idx %arg4[%add3A_79] : memref<10816xf32, #tpu.memory_space<vmem>>[vector<16xi32>], vector<16xf32>,
    %mul3A_81 = arith.mulf %gather3A_68, %gather3A_80 : vector<16xf32>
    %add3A_82 = arith.addf %add3A_57, %mul3A_81 : vector<16xf32>
    %mul3A_83 = arith.constant 26 : i32
    %mul3A_84 = arith.muli %min3A_1, %mul3A_83 : i32
    %add3A_85 = vector.broadcast %mul3A_84 : i32 to vector<16xi32>
    %add3A_86 = arith.addi %add3A_85, %min3A_7 : vector<16xi32>
    %mul3A_87 = arith.constant 16 : i32
    %mul3A_88 = vector.broadcast %mul3A_87 : i32 to vector<16xi32>
    %mul3A_89 = arith.muli %add3A_86, %mul3A_88 : vector<16xi32>
    %add3A_90 = arith.constant 3 : i32
    %add3A_91 = vector.broadcast %add3A_90 : i32 to vector<16xi32>
    %add3A_92 = arith.addi %mul3A_89, %add3A_91 : vector<16xi32>
    %gather3A_93 = tpu.vector_load_idx %arg4[%add3A_92] : memref<10816xf32, #tpu.memory_space<vmem>>[vector<16xi32>], vector<16xf32>,
    %mul3A_94 = arith.constant 26 : i32
    %mul3A_95 = vector.broadcast %mul3A_94 : i32 to vector<16xi32>
    %mul3A_96 = arith.muli %min3A_7, %mul3A_95 : vector<16xi32>
    %add3A_97 = vector.broadcast %min3A_1 : i32 to vector<16xi32>
    %add3A_98 = arith.addi %mul3A_96, %add3A_97 : vector<16xi32>
    %mul3A_99 = arith.constant 16 : i32
    %mul3A_100 = vector.broadcast %mul3A_99 : i32 to vector<16xi32>
    %mul3A_101 = arith.muli %add3A_98, %mul3A_100 : vector<16xi32>
    %add3A_102 = arith.constant 3 : i32
    %add3A_103 = vector.broadcast %add3A_102 : i32 to vector<16xi32>
    %add3A_104 = arith.addi %mul3A_101, %add3A_103 : vector<16xi32>
    %gather3A_105 = tpu.vector_load_idx %arg4[%add3A_104] : memref<10816xf32, #tpu.memory_space<vmem>>[vector<16xi32>], vector<16xf32>,
    %mul3A_106 = arith.mulf %gather3A_93, %gather3A_105 : vector<16xf32>
    %add3A_107 = arith.addf %add3A_82, %mul3A_106 : vector<16xf32>
    %mul3A_108 = arith.constant 26 : i32
    %mul3A_109 = arith.muli %min3A_1, %mul3A_108 : i32
    %add3A_110 = vector.broadcast %mul3A_109 : i32 to vector<16xi32>
    %add3A_111 = arith.addi %add3A_110, %min3A_7 : vector<16xi32>
    %mul3A_112 = arith.constant 16 : i32
    %mul3A_113 = vector.broadcast %mul3A_112 : i32 to vector<16xi32>
    %mul3A_114 = arith.muli %add3A_111, %mul3A_113 : vector<16xi32>
    %add3A_115 = arith.constant 4 : i32
    %add3A_116 = vector.broadcast %add3A_115 : i32 to vector<16xi32>
    %add3A_117 = arith.addi %mul3A_114, %add3A_116 : vector<16xi32>
    %gather3A_118 = tpu.vector_load_idx %arg4[%add3A_117] : memref<10816xf32, #tpu.memory_space<vmem>>[vector<16xi32>], vector<16xf32>,
    %mul3A_119 = arith.constant 26 : i32
    %mul3A_120 = vector.broadcast %mul3A_119 : i32 to vector<16xi32>
    %mul3A_121 = arith.muli %min3A_7, %mul3A_120 : vector<16xi32>
    %add3A_122 = vector.broadcast %min3A_1 : i32 to vector<16xi32>
    %add3A_123 = arith.addi %mul3A_121, %add3A_122 : vector<16xi32>
    %mul3A_124 = arith.constant 16 : i32
    %mul3A_125 = vector.broadcast %mul3A_124 : i32 to vector<16xi32>
    %mul3A_126 = arith.muli %add3A_123, %mul3A_125 : vector<16xi32>
    %add3A_127 = arith.constant 4 : i32
    %add3A_128 = vector.broadcast %add3A_127 : i32 to vector<16xi32>
    %add3A_129 = arith.addi %mul3A_126, %add3A_128 : vector<16xi32>
    %gather3A_130 = tpu.vector_load_idx %arg4[%add3A_129] : memref<10816xf32, #tpu.memory_space<vmem>>[vector<16xi32>], vector<16xf32>,
    %mul3A_131 = arith.mulf %gather3A_118, %gather3A_130 : vector<16xf32>
    %add3A_132 = arith.addf %add3A_107, %mul3A_131 : vector<16xf32>
    %mul3A_133 = arith.constant 26 : i32
    %mul3A_134 = arith.muli %min3A_1, %mul3A_133 : i32
    %add3A_135 = vector.broadcast %mul3A_134 : i32 to vector<16xi32>
    %add3A_136 = arith.addi %add3A_135, %min3A_7 : vector<16xi32>
    %mul3A_137 = arith.constant 16 : i32
    %mul3A_138 = vector.broadcast %mul3A_137 : i32 to vector<16xi32>
    %mul3A_139 = arith.muli %add3A_136, %mul3A_138 : vector<16xi32>
    %add3A_140 = arith.constant 5 : i32
    %add3A_141 = vector.broadcast %add3A_140 : i32 to vector<16xi32>
    %add3A_142 = arith.addi %mul3A_139, %add3A_141 : vector<16xi32>
    %gather3A_143 = tpu.vector_load_idx %arg4[%add3A_142] : memref<10816xf32, #tpu.memory_space<vmem>>[vector<16xi32>], vector<16xf32>,
    %mul3A_144 = arith.constant 26 : i32
    %mul3A_145 = vector.broadcast %mul3A_144 : i32 to vector<16xi32>
    %mul3A_146 = arith.muli %min3A_7, %mul3A_145 : vector<16xi32>
    %add3A_147 = vector.broadcast %min3A_1 : i32 to vector<16xi32>
    %add3A_148 = arith.addi %mul3A_146, %add3A_147 : vector<16xi32>
    %mul3A_149 = arith.constant 16 : i32
    %mul3A_150 = vector.broadcast %mul3A_149 : i32 to vector<16xi32>
    %mul3A_151 = arith.muli %add3A_148, %mul3A_150 : vector<16xi32>
    %add3A_152 = arith.constant 5 : i32
    %add3A_153 = vector.broadcast %add3A_152 : i32 to vector<16xi32>
    %add3A_154 = arith.addi %mul3A_151, %add3A_153 : vector<16xi32>
    %gather3A_155 = tpu.vector_load_idx %arg4[%add3A_154] : memref<10816xf32, #tpu.memory_space<vmem>>[vector<16xi32>], vector<16xf32>,
    %mul3A_156 = arith.mulf %gather3A_143, %gather3A_155 : vector<16xf32>
    %add3A_157 = arith.addf %add3A_132, %mul3A_156 : vector<16xf32>
    %mul3A_158 = arith.constant 26 : i32
    %mul3A_159 = arith.muli %min3A_1, %mul3A_158 : i32
    %add3A_160 = vector.broadcast %mul3A_159 : i32 to vector<16xi32>
    %add3A_161 = arith.addi %add3A_160, %min3A_7 : vector<16xi32>
    %mul3A_162 = arith.constant 16 : i32
    %mul3A_163 = vector.broadcast %mul3A_162 : i32 to vector<16xi32>
    %mul3A_164 = arith.muli %add3A_161, %mul3A_163 : vector<16xi32>
    %add3A_165 = arith.constant 6 : i32
    %add3A_166 = vector.broadcast %add3A_165 : i32 to vector<16xi32>
    %add3A_167 = arith.addi %mul3A_164, %add3A_166 : vector<16xi32>
    %gather3A_168 = tpu.vector_load_idx %arg4[%add3A_167] : memref<10816xf32, #tpu.memory_space<vmem>>[vector<16xi32>], vector<16xf32>,
    %mul3A_169 = arith.constant 26 : i32
    %mul3A_170 = vector.broadcast %mul3A_169 : i32 to vector<16xi32>
    %mul3A_171 = arith.muli %min3A_7, %mul3A_170 : vector<16xi32>
    %add3A_172 = vector.broadcast %min3A_1 : i32 to vector<16xi32>
    %add3A_173 = arith.addi %mul3A_171, %add3A_172 : vector<16xi32>
    %mul3A_174 = arith.constant 16 : i32
    %mul3A_175 = vector.broadcast %mul3A_174 : i32 to vector<16xi32>
    %mul3A_176 = arith.muli %add3A_173, %mul3A_175 : vector<16xi32>
    %add3A_177 = arith.constant 6 : i32
    %add3A_178 = vector.broadcast %add3A_177 : i32 to vector<16xi32>
    %add3A_179 = arith.addi %mul3A_176, %add3A_178 : vector<16xi32>
    %gather3A_180 = tpu.vector_load_idx %arg4[%add3A_179] : memref<10816xf32, #tpu.memory_space<vmem>>[vector<16xi32>], vector<16xf32>,
    %mul3A_181 = arith.mulf %gather3A_168, %gather3A_180 : vector<16xf32>
    %add3A_182 = arith.addf %add3A_157, %mul3A_181 : vector<16xf32>
    %mul3A_183 = arith.constant 26 : i32
    %mul3A_184 = arith.muli %min3A_1, %mul3A_183 : i32
    %add3A_185 = vector.broadcast %mul3A_184 : i32 to vector<16xi32>
    %add3A_186 = arith.addi %add3A_185, %min3A_7 : vector<16xi32>
    %mul3A_187 = arith.constant 16 : i32
    %mul3A_188 = vector.broadcast %mul3A_187 : i32 to vector<16xi32>
    %mul3A_189 = arith.muli %add3A_186, %mul3A_188 : vector<16xi32>
    %add3A_190 = arith.constant 7 : i32
    %add3A_191 = vector.broadcast %add3A_190 : i32 to vector<16xi32>
    %add3A_192 = arith.addi %mul3A_189, %add3A_191 : vector<16xi32>
    %gather3A_193 = tpu.vector_load_idx %arg4[%add3A_192] : memref<10816xf32, #tpu.memory_space<vmem>>[vector<16xi32>], vector<16xf32>,
    %mul3A_194 = arith.constant 26 : i32
    %mul3A_195 = vector.broadcast %mul3A_194 : i32 to vector<16xi32>
    %mul3A_196 = arith.muli %min3A_7, %mul3A_195 : vector<16xi32>
    %add3A_197 = vector.broadcast %min3A_1 : i32 to vector<16xi32>
    %add3A_198 = arith.addi %mul3A_196, %add3A_197 : vector<16xi32>
    %mul3A_199 = arith.constant 16 : i32
    %mul3A_200 = vector.broadcast %mul3A_199 : i32 to vector<16xi32>
    %mul3A_201 = arith.muli %add3A_198, %mul3A_200 : vector<16xi32>
    %add3A_202 = arith.constant 7 : i32
    %add3A_203 = vector.broadcast %add3A_202 : i32 to vector<16xi32>
    %add3A_204 = arith.addi %mul3A_201, %add3A_203 : vector<16xi32>
    %gather3A_205 = tpu.vector_load_idx %arg4[%add3A_204] : memref<10816xf32, #tpu.memory_space<vmem>>[vector<16xi32>], vector<16xf32>,
    %mul3A_206 = arith.mulf %gather3A_193, %gather3A_205 : vector<16xf32>
    %add3A_207 = arith.addf %add3A_182, %mul3A_206 : vector<16xf32>
    %mul3A_208 = arith.constant 26 : i32
    %mul3A_209 = arith.muli %min3A_1, %mul3A_208 : i32
    %add3A_210 = vector.broadcast %mul3A_209 : i32 to vector<16xi32>
    %add3A_211 = arith.addi %add3A_210, %min3A_7 : vector<16xi32>
    %mul3A_212 = arith.constant 16 : i32
    %mul3A_213 = vector.broadcast %mul3A_212 : i32 to vector<16xi32>
    %mul3A_214 = arith.muli %add3A_211, %mul3A_213 : vector<16xi32>
    %add3A_215 = arith.constant 8 : i32
    %add3A_216 = vector.broadcast %add3A_215 : i32 to vector<16xi32>
    %add3A_217 = arith.addi %mul3A_214, %add3A_216 : vector<16xi32>
    %gather3A_218 = tpu.vector_load_idx %arg4[%add3A_217] : memref<10816xf32, #tpu.memory_space<vmem>>[vector<16xi32>], vector<16xf32>,
    %mul3A_219 = arith.constant 26 : i32
    %mul3A_220 = vector.broadcast %mul3A_219 : i32 to vector<16xi32>
    %mul3A_221 = arith.muli %min3A_7, %mul3A_220 : vector<16xi32>
    %add3A_222 = vector.broadcast %min3A_1 : i32 to vector<16xi32>
    %add3A_223 = arith.addi %mul3A_221, %add3A_222 : vector<16xi32>
    %mul3A_224 = arith.constant 16 : i32
    %mul3A_225 = vector.broadcast %mul3A_224 : i32 to vector<16xi32>
    %mul3A_226 = arith.muli %add3A_223, %mul3A_225 : vector<16xi32>
    %add3A_227 = arith.constant 8 : i32
    %add3A_228 = vector.broadcast %add3A_227 : i32 to vector<16xi32>
    %add3A_229 = arith.addi %mul3A_226, %add3A_228 : vector<16xi32>
    %gather3A_230 = tpu.vector_load_idx %arg4[%add3A_229] : memref<10816xf32, #tpu.memory_space<vmem>>[vector<16xi32>], vector<16xf32>,
    %mul3A_231 = arith.mulf %gather3A_218, %gather3A_230 : vector<16xf32>
    %add3A_232 = arith.addf %add3A_207, %mul3A_231 : vector<16xf32>
    %mul3A_233 = arith.constant 26 : i32
    %mul3A_234 = arith.muli %min3A_1, %mul3A_233 : i32
    %add3A_235 = vector.broadcast %mul3A_234 : i32 to vector<16xi32>
    %add3A_236 = arith.addi %add3A_235, %min3A_7 : vector<16xi32>
    %mul3A_237 = arith.constant 16 : i32
    %mul3A_238 = vector.broadcast %mul3A_237 : i32 to vector<16xi32>
    %mul3A_239 = arith.muli %add3A_236, %mul3A_238 : vector<16xi32>
    %add3A_240 = arith.constant 9 : i32
    %add3A_241 = vector.broadcast %add3A_240 : i32 to vector<16xi32>
    %add3A_242 = arith.addi %mul3A_239, %add3A_241 : vector<16xi32>
    %gather3A_243 = tpu.vector_load_idx %arg4[%add3A_242] : memref<10816xf32, #tpu.memory_space<vmem>>[vector<16xi32>], vector<16xf32>,
    %mul3A_244 = arith.constant 26 : i32
    %mul3A_245 = vector.broadcast %mul3A_244 : i32 to vector<16xi32>
    %mul3A_246 = arith.muli %min3A_7, %mul3A_245 : vector<16xi32>
    %add3A_247 = vector.broadcast %min3A_1 : i32 to vector<16xi32>
    %add3A_248 = arith.addi %mul3A_246, %add3A_247 : vector<16xi32>
    %mul3A_249 = arith.constant 16 : i32
    %mul3A_250 = vector.broadcast %mul3A_249 : i32 to vector<16xi32>
    %mul3A_251 = arith.muli %add3A_248, %mul3A_250 : vector<16xi32>
    %add3A_252 = arith.constant 9 : i32
    %add3A_253 = vector.broadcast %add3A_252 : i32 to vector<16xi32>
    %add3A_254 = arith.addi %mul3A_251, %add3A_253 : vector<16xi32>
    %gather3A_255 = tpu.vector_load_idx %arg4[%add3A_254] : memref<10816xf32, #tpu.memory_space<vmem>>[vector<16xi32>], vector<16xf32>,
    %mul3A_256 = arith.mulf %gather3A_243, %gather3A_255 : vector<16xf32>
    %add3A_257 = arith.addf %add3A_232, %mul3A_256 : vector<16xf32>
    %mul3A_258 = arith.constant 26 : i32
    %mul3A_259 = arith.muli %min3A_1, %mul3A_258 : i32
    %add3A_260 = vector.broadcast %mul3A_259 : i32 to vector<16xi32>
    %add3A_261 = arith.addi %add3A_260, %min3A_7 : vector<16xi32>
    %mul3A_262 = arith.constant 16 : i32
    %mul3A_263 = vector.broadcast %mul3A_262 : i32 to vector<16xi32>
    %mul3A_264 = arith.muli %add3A_261, %mul3A_263 : vector<16xi32>
    %add3A_265 = arith.constant 10 : i32
    %add3A_266 = vector.broadcast %add3A_265 : i32 to vector<16xi32>
    %add3A_267 = arith.addi %mul3A_264, %add3A_266 : vector<16xi32>
    %gather3A_268 = tpu.vector_load_idx %arg4[%add3A_267] : memref<10816xf32, #tpu.memory_space<vmem>>[vector<16xi32>], vector<16xf32>,
    %mul3A_269 = arith.constant 26 : i32
    %mul3A_270 = vector.broadcast %mul3A_269 : i32 to vector<16xi32>
    %mul3A_271 = arith.muli %min3A_7, %mul3A_270 : vector<16xi32>
    %add3A_272 = vector.broadcast %min3A_1 : i32 to vector<16xi32>
    %add3A_273 = arith.addi %mul3A_271, %add3A_272 : vector<16xi32>
    %mul3A_274 = arith.constant 16 : i32
    %mul3A_275 = vector.broadcast %mul3A_274 : i32 to vector<16xi32>
    %mul3A_276 = arith.muli %add3A_273, %mul3A_275 : vector<16xi32>
    %add3A_277 = arith.constant 10 : i32
    %add3A_278 = vector.broadcast %add3A_277 : i32 to vector<16xi32>
    %add3A_279 = arith.addi %mul3A_276, %add3A_278 : vector<16xi32>
    %gather3A_280 = tpu.vector_load_idx %arg4[%add3A_279] : memref<10816xf32, #tpu.memory_space<vmem>>[vector<16xi32>], vector<16xf32>,
    %mul3A_281 = arith.mulf %gather3A_268, %gather3A_280 : vector<16xf32>
    %add3A_282 = arith.addf %add3A_257, %mul3A_281 : vector<16xf32>
    %mul3A_283 = arith.constant 26 : i32
    %mul3A_284 = arith.muli %min3A_1, %mul3A_283 : i32
    %add3A_285 = vector.broadcast %mul3A_284 : i32 to vector<16xi32>
    %add3A_286 = arith.addi %add3A_285, %min3A_7 : vector<16xi32>
    %mul3A_287 = arith.constant 16 : i32
    %mul3A_288 = vector.broadcast %mul3A_287 : i32 to vector<16xi32>
    %mul3A_289 = arith.muli %add3A_286, %mul3A_288 : vector<16xi32>
    %add3A_290 = arith.constant 11 : i32
    %add3A_291 = vector.broadcast %add3A_290 : i32 to vector<16xi32>
    %add3A_292 = arith.addi %mul3A_289, %add3A_291 : vector<16xi32>
    %gather3A_293 = tpu.vector_load_idx %arg4[%add3A_292] : memref<10816xf32, #tpu.memory_space<vmem>>[vector<16xi32>], vector<16xf32>,
    %mul3A_294 = arith.constant 26 : i32
    %mul3A_295 = vector.broadcast %mul3A_294 : i32 to vector<16xi32>
    %mul3A_296 = arith.muli %min3A_7, %mul3A_295 : vector<16xi32>
    %add3A_297 = vector.broadcast %min3A_1 : i32 to vector<16xi32>
    %add3A_298 = arith.addi %mul3A_296, %add3A_297 : vector<16xi32>
    %mul3A_299 = arith.constant 16 : i32
    %mul3A_300 = vector.broadcast %mul3A_299 : i32 to vector<16xi32>
    %mul3A_301 = arith.muli %add3A_298, %mul3A_300 : vector<16xi32>
    %add3A_302 = arith.constant 11 : i32
    %add3A_303 = vector.broadcast %add3A_302 : i32 to vector<16xi32>
    %add3A_304 = arith.addi %mul3A_301, %add3A_303 : vector<16xi32>
    %gather3A_305 = tpu.vector_load_idx %arg4[%add3A_304] : memref<10816xf32, #tpu.memory_space<vmem>>[vector<16xi32>], vector<16xf32>,
    %mul3A_306 = arith.mulf %gather3A_293, %gather3A_305 : vector<16xf32>
    %add3A_307 = arith.addf %add3A_282, %mul3A_306 : vector<16xf32>
    %mul3A_308 = arith.constant 26 : i32
    %mul3A_309 = arith.muli %min3A_1, %mul3A_308 : i32
    %add3A_310 = vector.broadcast %mul3A_309 : i32 to vector<16xi32>
    %add3A_311 = arith.addi %add3A_310, %min3A_7 : vector<16xi32>
    %mul3A_312 = arith.constant 16 : i32
    %mul3A_313 = vector.broadcast %mul3A_312 : i32 to vector<16xi32>
    %mul3A_314 = arith.muli %add3A_311, %mul3A_313 : vector<16xi32>
    %add3A_315 = arith.constant 12 : i32
    %add3A_316 = vector.broadcast %add3A_315 : i32 to vector<16xi32>
    %add3A_317 = arith.addi %mul3A_314, %add3A_316 : vector<16xi32>
    %gather3A_318 = tpu.vector_load_idx %arg4[%add3A_317] : memref<10816xf32, #tpu.memory_space<vmem>>[vector<16xi32>], vector<16xf32>,
    %mul3A_319 = arith.constant 26 : i32
    %mul3A_320 = vector.broadcast %mul3A_319 : i32 to vector<16xi32>
    %mul3A_321 = arith.muli %min3A_7, %mul3A_320 : vector<16xi32>
    %add3A_322 = vector.broadcast %min3A_1 : i32 to vector<16xi32>
    %add3A_323 = arith.addi %mul3A_321, %add3A_322 : vector<16xi32>
    %mul3A_324 = arith.constant 16 : i32
    %mul3A_325 = vector.broadcast %mul3A_324 : i32 to vector<16xi32>
    %mul3A_326 = arith.muli %add3A_323, %mul3A_325 : vector<16xi32>
    %add3A_327 = arith.constant 12 : i32
    %add3A_328 = vector.broadcast %add3A_327 : i32 to vector<16xi32>
    %add3A_329 = arith.addi %mul3A_326, %add3A_328 : vector<16xi32>
    %gather3A_330 = tpu.vector_load_idx %arg4[%add3A_329] : memref<10816xf32, #tpu.memory_space<vmem>>[vector<16xi32>], vector<16xf32>,
    %mul3A_331 = arith.mulf %gather3A_318, %gather3A_330 : vector<16xf32>
    %add3A_332 = arith.addf %add3A_307, %mul3A_331 : vector<16xf32>
    %mul3A_333 = arith.constant 26 : i32
    %mul3A_334 = arith.muli %min3A_1, %mul3A_333 : i32
    %add3A_335 = vector.broadcast %mul3A_334 : i32 to vector<16xi32>
    %add3A_336 = arith.addi %add3A_335, %min3A_7 : vector<16xi32>
    %mul3A_337 = arith.constant 16 : i32
    %mul3A_338 = vector.broadcast %mul3A_337 : i32 to vector<16xi32>
    %mul3A_339 = arith.muli %add3A_336, %mul3A_338 : vector<16xi32>
    %add3A_340 = arith.constant 13 : i32
    %add3A_341 = vector.broadcast %add3A_340 : i32 to vector<16xi32>
    %add3A_342 = arith.addi %mul3A_339, %add3A_341 : vector<16xi32>
    %gather3A_343 = tpu.vector_load_idx %arg4[%add3A_342] : memref<10816xf32, #tpu.memory_space<vmem>>[vector<16xi32>], vector<16xf32>,
    %mul3A_344 = arith.constant 26 : i32
    %mul3A_345 = vector.broadcast %mul3A_344 : i32 to vector<16xi32>
    %mul3A_346 = arith.muli %min3A_7, %mul3A_345 : vector<16xi32>
    %add3A_347 = vector.broadcast %min3A_1 : i32 to vector<16xi32>
    %add3A_348 = arith.addi %mul3A_346, %add3A_347 : vector<16xi32>
    %mul3A_349 = arith.constant 16 : i32
    %mul3A_350 = vector.broadcast %mul3A_349 : i32 to vector<16xi32>
    %mul3A_351 = arith.muli %add3A_348, %mul3A_350 : vector<16xi32>
    %add3A_352 = arith.constant 13 : i32
    %add3A_353 = vector.broadcast %add3A_352 : i32 to vector<16xi32>
    %add3A_354 = arith.addi %mul3A_351, %add3A_353 : vector<16xi32>
    %gather3A_355 = tpu.vector_load_idx %arg4[%add3A_354] : memref<10816xf32, #tpu.memory_space<vmem>>[vector<16xi32>], vector<16xf32>,
    %mul3A_356 = arith.mulf %gather3A_343, %gather3A_355 : vector<16xf32>
    %add3A_357 = arith.addf %add3A_332, %mul3A_356 : vector<16xf32>
    %mul3A_358 = arith.constant 26 : i32
    %mul3A_359 = arith.muli %min3A_1, %mul3A_358 : i32
    %add3A_360 = vector.broadcast %mul3A_359 : i32 to vector<16xi32>
    %add3A_361 = arith.addi %add3A_360, %min3A_7 : vector<16xi32>
    %mul3A_362 = arith.constant 16 : i32
    %mul3A_363 = vector.broadcast %mul3A_362 : i32 to vector<16xi32>
    %mul3A_364 = arith.muli %add3A_361, %mul3A_363 : vector<16xi32>
    %add3A_365 = arith.constant 14 : i32
    %add3A_366 = vector.broadcast %add3A_365 : i32 to vector<16xi32>
    %add3A_367 = arith.addi %mul3A_364, %add3A_366 : vector<16xi32>
    %gather3A_368 = tpu.vector_load_idx %arg4[%add3A_367] : memref<10816xf32, #tpu.memory_space<vmem>>[vector<16xi32>], vector<16xf32>,
    %mul3A_369 = arith.constant 26 : i32
    %mul3A_370 = vector.broadcast %mul3A_369 : i32 to vector<16xi32>
    %mul3A_371 = arith.muli %min3A_7, %mul3A_370 : vector<16xi32>
    %add3A_372 = vector.broadcast %min3A_1 : i32 to vector<16xi32>
    %add3A_373 = arith.addi %mul3A_371, %add3A_372 : vector<16xi32>
    %mul3A_374 = arith.constant 16 : i32
    %mul3A_375 = vector.broadcast %mul3A_374 : i32 to vector<16xi32>
    %mul3A_376 = arith.muli %add3A_373, %mul3A_375 : vector<16xi32>
    %add3A_377 = arith.constant 14 : i32
    %add3A_378 = vector.broadcast %add3A_377 : i32 to vector<16xi32>
    %add3A_379 = arith.addi %mul3A_376, %add3A_378 : vector<16xi32>
    %gather3A_380 = tpu.vector_load_idx %arg4[%add3A_379] : memref<10816xf32, #tpu.memory_space<vmem>>[vector<16xi32>], vector<16xf32>,
    %mul3A_381 = arith.mulf %gather3A_368, %gather3A_380 : vector<16xf32>
    %add3A_382 = arith.addf %add3A_357, %mul3A_381 : vector<16xf32>
    %mul3A_383 = arith.constant 26 : i32
    %mul3A_384 = arith.muli %min3A_1, %mul3A_383 : i32
    %add3A_385 = vector.broadcast %mul3A_384 : i32 to vector<16xi32>
    %add3A_386 = arith.addi %add3A_385, %min3A_7 : vector<16xi32>
    %mul3A_387 = arith.constant 16 : i32
    %mul3A_388 = vector.broadcast %mul3A_387 : i32 to vector<16xi32>
    %mul3A_389 = arith.muli %add3A_386, %mul3A_388 : vector<16xi32>
    %add3A_390 = arith.constant 15 : i32
    %add3A_391 = vector.broadcast %add3A_390 : i32 to vector<16xi32>
    %add3A_392 = arith.addi %mul3A_389, %add3A_391 : vector<16xi32>
    %gather3A_393 = tpu.vector_load_idx %arg4[%add3A_392] : memref<10816xf32, #tpu.memory_space<vmem>>[vector<16xi32>], vector<16xf32>,
    %mul3A_394 = arith.constant 26 : i32
    %mul3A_395 = vector.broadcast %mul3A_394 : i32 to vector<16xi32>
    %mul3A_396 = arith.muli %min3A_7, %mul3A_395 : vector<16xi32>
    %add3A_397 = vector.broadcast %min3A_1 : i32 to vector<16xi32>
    %add3A_398 = arith.addi %mul3A_396, %add3A_397 : vector<16xi32>
    %mul3A_399 = arith.constant 16 : i32
    %mul3A_400 = vector.broadcast %mul3A_399 : i32 to vector<16xi32>
    %mul3A_401 = arith.muli %add3A_398, %mul3A_400 : vector<16xi32>
    %add3A_402 = arith.constant 15 : i32
    %add3A_403 = vector.broadcast %add3A_402 : i32 to vector<16xi32>
    %add3A_404 = arith.addi %mul3A_401, %add3A_403 : vector<16xi32>
    %gather3A_405 = tpu.vector_load_idx %arg4[%add3A_404] : memref<10816xf32, #tpu.memory_space<vmem>>[vector<16xi32>], vector<16xf32>,
    %mul3A_406 = arith.mulf %gather3A_393, %gather3A_405 : vector<16xf32>
    %add3A_407 = arith.addf %add3A_382, %mul3A_406 : vector<16xf32>
    %swap3A = arith.constant 0 : index
    %swap3A_408 = tpu.vector_load %arg5[%swap3A] {strides = array<i32>} : memref<32xf32, #tpu.memory_space<vmem>>, vector<16xf32>,
    tpu.vector_store %arg5[%swap3A], %add3A_407 {strides = array<i32>} : memref<32xf32, #tpu.memory_space<vmem>>, vector<16xf32>,
    %add3A_409 = arith.constant 16 : i32
    %add3A_410 = vector.broadcast %add3A_409 : i32 to vector<16xi32>
    %add3A_411 = arith.addi %iota3A, %add3A_410 : vector<16xi32>
    %min3A_412 = arith.constant 25 : i32
    %min3A_413 = vector.broadcast %min3A_412 : i32 to vector<16xi32>
    %min3A_414 = arith.minsi %add3A_411, %min3A_413 : vector<16xi32>
    %broadcast_in_dim3A_415 = arith.constant 0.000000e+00 : f32
    %broadcast_in_dim3A_416 = vector.broadcast %broadcast_in_dim3A_415 : f32 to vector<16xf32>
    %mul3A_417 = arith.constant 26 : i32
    %mul3A_418 = arith.muli %min3A_1, %mul3A_417 : i32
    %add3A_419 = vector.broadcast %mul3A_418 : i32 to vector<16xi32>
    %add3A_420 = arith.addi %add3A_419, %min3A_414 : vector<16xi32>
    %mul3A_421 = arith.constant 16 : i32
    %mul3A_422 = vector.broadcast %mul3A_421 : i32 to vector<16xi32>
    %mul3A_423 = arith.muli %add3A_420, %mul3A_422 : vector<16xi32>
    %add3A_424 = arith.constant 0 : i32
    %add3A_425 = vector.broadcast %add3A_424 : i32 to vector<16xi32>
    %add3A_426 = arith.addi %mul3A_423, %add3A_425 : vector<16xi32>
    %gather3A_427 = tpu.vector_load_idx %arg4[%add3A_426] : memref<10816xf32, #tpu.memory_space<vmem>>[vector<16xi32>], vector<16xf32>,
    %mul3A_428 = arith.constant 26 : i32
    %mul3A_429 = vector.broadcast %mul3A_428 : i32 to vector<16xi32>
    %mul3A_430 = arith.muli %min3A_414, %mul3A_429 : vector<16xi32>
    %add3A_431 = vector.broadcast %min3A_1 : i32 to vector<16xi32>
    %add3A_432 = arith.addi %mul3A_430, %add3A_431 : vector<16xi32>
    %mul3A_433 = arith.constant 16 : i32
    %mul3A_434 = vector.broadcast %mul3A_433 : i32 to vector<16xi32>
    %mul3A_435 = arith.muli %add3A_432, %mul3A_434 : vector<16xi32>
    %add3A_436 = arith.constant 0 : i32
    %add3A_437 = vector.broadcast %add3A_436 : i32 to vector<16xi32>
    %add3A_438 = arith.addi %mul3A_435, %add3A_437 : vector<16xi32>
    %gather3A_439 = tpu.vector_load_idx %arg4[%add3A_438] : memref<10816xf32, #tpu.memory_space<vmem>>[vector<16xi32>], vector<16xf32>,
    %mul3A_440 = arith.mulf %gather3A_427, %gather3A_439 : vector<16xf32>
    %add3A_441 = arith.addf %broadcast_in_dim3A_416, %mul3A_440 : vector<16xf32>
    %mul3A_442 = arith.constant 26 : i32
    %mul3A_443 = arith.muli %min3A_1, %mul3A_442 : i32
    %add3A_444 = vector.broadcast %mul3A_443 : i32 to vector<16xi32>
    %add3A_445 = arith.addi %add3A_444, %min3A_414 : vector<16xi32>
    %mul3A_446 = arith.constant 16 : i32
    %mul3A_447 = vector.broadcast %mul3A_446 : i32 to vector<16xi32>
    %mul3A_448 = arith.muli %add3A_445, %mul3A_447 : vector<16xi32>
    %add3A_449 = arith.constant 1 : i32
    %add3A_450 = vector.broadcast %add3A_449 : i32 to vector<16xi32>
    %add3A_451 = arith.addi %mul3A_448, %add3A_450 : vector<16xi32>
    %gather3A_452 = tpu.vector_load_idx %arg4[%add3A_451] : memref<10816xf32, #tpu.memory_space<vmem>>[vector<16xi32>], vector<16xf32>,
    %mul3A_453 = arith.constant 26 : i32
    %mul3A_454 = vector.broadcast %mul3A_453 : i32 to vector<16xi32>
    %mul3A_455 = arith.muli %min3A_414, %mul3A_454 : vector<16xi32>
    %add3A_456 = vector.broadcast %min3A_1 : i32 to vector<16xi32>
    %add3A_457 = arith.addi %mul3A_455, %add3A_456 : vector<16xi32>
    %mul3A_458 = arith.constant 16 : i32
    %mul3A_459 = vector.broadcast %mul3A_458 : i32 to vector<16xi32>
    %mul3A_460 = arith.muli %add3A_457, %mul3A_459 : vector<16xi32>
    %add3A_461 = arith.constant 1 : i32
    %add3A_462 = vector.broadcast %add3A_461 : i32 to vector<16xi32>
    %add3A_463 = arith.addi %mul3A_460, %add3A_462 : vector<16xi32>
    %gather3A_464 = tpu.vector_load_idx %arg4[%add3A_463] : memref<10816xf32, #tpu.memory_space<vmem>>[vector<16xi32>], vector<16xf32>,
    %mul3A_465 = arith.mulf %gather3A_452, %gather3A_464 : vector<16xf32>
    %add3A_466 = arith.addf %add3A_441, %mul3A_465 : vector<16xf32>
    %mul3A_467 = arith.constant 26 : i32
    %mul3A_468 = arith.muli %min3A_1, %mul3A_467 : i32
    %add3A_469 = vector.broadcast %mul3A_468 : i32 to vector<16xi32>
    %add3A_470 = arith.addi %add3A_469, %min3A_414 : vector<16xi32>
    %mul3A_471 = arith.constant 16 : i32
    %mul3A_472 = vector.broadcast %mul3A_471 : i32 to vector<16xi32>
    %mul3A_473 = arith.muli %add3A_470, %mul3A_472 : vector<16xi32>
    %add3A_474 = arith.constant 2 : i32
    %add3A_475 = vector.broadcast %add3A_474 : i32 to vector<16xi32>
    %add3A_476 = arith.addi %mul3A_473, %add3A_475 : vector<16xi32>
    %gather3A_477 = tpu.vector_load_idx %arg4[%add3A_476] : memref<10816xf32, #tpu.memory_space<vmem>>[vector<16xi32>], vector<16xf32>,
    %mul3A_478 = arith.constant 26 : i32
    %mul3A_479 = vector.broadcast %mul3A_478 : i32 to vector<16xi32>
    %mul3A_480 = arith.muli %min3A_414, %mul3A_479 : vector<16xi32>
    %add3A_481 = vector.broadcast %min3A_1 : i32 to vector<16xi32>
    %add3A_482 = arith.addi %mul3A_480, %add3A_481 : vector<16xi32>
    %mul3A_483 = arith.constant 16 : i32
    %mul3A_484 = vector.broadcast %mul3A_483 : i32 to vector<16xi32>
    %mul3A_485 = arith.muli %add3A_482, %mul3A_484 : vector<16xi32>
    %add3A_486 = arith.constant 2 : i32
    %add3A_487 = vector.broadcast %add3A_486 : i32 to vector<16xi32>
    %add3A_488 = arith.addi %mul3A_485, %add3A_487 : vector<16xi32>
    %gather3A_489 = tpu.vector_load_idx %arg4[%add3A_488] : memref<10816xf32, #tpu.memory_space<vmem>>[vector<16xi32>], vector<16xf32>,
    %mul3A_490 = arith.mulf %gather3A_477, %gather3A_489 : vector<16xf32>
    %add3A_491 = arith.addf %add3A_466, %mul3A_490 : vector<16xf32>
    %mul3A_492 = arith.constant 26 : i32
    %mul3A_493 = arith.muli %min3A_1, %mul3A_492 : i32
    %add3A_494 = vector.broadcast %mul3A_493 : i32 to vector<16xi32>
    %add3A_495 = arith.addi %add3A_494, %min3A_414 : vector<16xi32>
    %mul3A_496 = arith.constant 16 : i32
    %mul3A_497 = vector.broadcast %mul3A_496 : i32 to vector<16xi32>
    %mul3A_498 = arith.muli %add3A_495, %mul3A_497 : vector<16xi32>
    %add3A_499 = arith.constant 3 : i32
    %add3A_500 = vector.broadcast %add3A_499 : i32 to vector<16xi32>
    %add3A_501 = arith.addi %mul3A_498, %add3A_500 : vector<16xi32>
    %gather3A_502 = tpu.vector_load_idx %arg4[%add3A_501] : memref<10816xf32, #tpu.memory_space<vmem>>[vector<16xi32>], vector<16xf32>,
    %mul3A_503 = arith.constant 26 : i32
    %mul3A_504 = vector.broadcast %mul3A_503 : i32 to vector<16xi32>
    %mul3A_505 = arith.muli %min3A_414, %mul3A_504 : vector<16xi32>
    %add3A_506 = vector.broadcast %min3A_1 : i32 to vector<16xi32>
    %add3A_507 = arith.addi %mul3A_505, %add3A_506 : vector<16xi32>
    %mul3A_508 = arith.constant 16 : i32
    %mul3A_509 = vector.broadcast %mul3A_508 : i32 to vector<16xi32>
    %mul3A_510 = arith.muli %add3A_507, %mul3A_509 : vector<16xi32>
    %add3A_511 = arith.constant 3 : i32
    %add3A_512 = vector.broadcast %add3A_511 : i32 to vector<16xi32>
    %add3A_513 = arith.addi %mul3A_510, %add3A_512 : vector<16xi32>
    %gather3A_514 = tpu.vector_load_idx %arg4[%add3A_513] : memref<10816xf32, #tpu.memory_space<vmem>>[vector<16xi32>], vector<16xf32>,
    %mul3A_515 = arith.mulf %gather3A_502, %gather3A_514 : vector<16xf32>
    %add3A_516 = arith.addf %add3A_491, %mul3A_515 : vector<16xf32>
    %mul3A_517 = arith.constant 26 : i32
    %mul3A_518 = arith.muli %min3A_1, %mul3A_517 : i32
    %add3A_519 = vector.broadcast %mul3A_518 : i32 to vector<16xi32>
    %add3A_520 = arith.addi %add3A_519, %min3A_414 : vector<16xi32>
    %mul3A_521 = arith.constant 16 : i32
    %mul3A_522 = vector.broadcast %mul3A_521 : i32 to vector<16xi32>
    %mul3A_523 = arith.muli %add3A_520, %mul3A_522 : vector<16xi32>
    %add3A_524 = arith.constant 4 : i32
    %add3A_525 = vector.broadcast %add3A_524 : i32 to vector<16xi32>
    %add3A_526 = arith.addi %mul3A_523, %add3A_525 : vector<16xi32>
    %gather3A_527 = tpu.vector_load_idx %arg4[%add3A_526] : memref<10816xf32, #tpu.memory_space<vmem>>[vector<16xi32>], vector<16xf32>,
    %mul3A_528 = arith.constant 26 : i32
    %mul3A_529 = vector.broadcast %mul3A_528 : i32 to vector<16xi32>
    %mul3A_530 = arith.muli %min3A_414, %mul3A_529 : vector<16xi32>
    %add3A_531 = vector.broadcast %min3A_1 : i32 to vector<16xi32>
    %add3A_532 = arith.addi %mul3A_530, %add3A_531 : vector<16xi32>
    %mul3A_533 = arith.constant 16 : i32
    %mul3A_534 = vector.broadcast %mul3A_533 : i32 to vector<16xi32>
    %mul3A_535 = arith.muli %add3A_532, %mul3A_534 : vector<16xi32>
    %add3A_536 = arith.constant 4 : i32
    %add3A_537 = vector.broadcast %add3A_536 : i32 to vector<16xi32>
    %add3A_538 = arith.addi %mul3A_535, %add3A_537 : vector<16xi32>
    %gather3A_539 = tpu.vector_load_idx %arg4[%add3A_538] : memref<10816xf32, #tpu.memory_space<vmem>>[vector<16xi32>], vector<16xf32>,
    %mul3A_540 = arith.mulf %gather3A_527, %gather3A_539 : vector<16xf32>
    %add3A_541 = arith.addf %add3A_516, %mul3A_540 : vector<16xf32>
    %mul3A_542 = arith.constant 26 : i32
    %mul3A_543 = arith.muli %min3A_1, %mul3A_542 : i32
    %add3A_544 = vector.broadcast %mul3A_543 : i32 to vector<16xi32>
    %add3A_545 = arith.addi %add3A_544, %min3A_414 : vector<16xi32>
    %mul3A_546 = arith.constant 16 : i32
    %mul3A_547 = vector.broadcast %mul3A_546 : i32 to vector<16xi32>
    %mul3A_548 = arith.muli %add3A_545, %mul3A_547 : vector<16xi32>
    %add3A_549 = arith.constant 5 : i32
    %add3A_550 = vector.broadcast %add3A_549 : i32 to vector<16xi32>
    %add3A_551 = arith.addi %mul3A_548, %add3A_550 : vector<16xi32>
    %gather3A_552 = tpu.vector_load_idx %arg4[%add3A_551] : memref<10816xf32, #tpu.memory_space<vmem>>[vector<16xi32>], vector<16xf32>,
    %mul3A_553 = arith.constant 26 : i32
    %mul3A_554 = vector.broadcast %mul3A_553 : i32 to vector<16xi32>
    %mul3A_555 = arith.muli %min3A_414, %mul3A_554 : vector<16xi32>
    %add3A_556 = vector.broadcast %min3A_1 : i32 to vector<16xi32>
    %add3A_557 = arith.addi %mul3A_555, %add3A_556 : vector<16xi32>
    %mul3A_558 = arith.constant 16 : i32
    %mul3A_559 = vector.broadcast %mul3A_558 : i32 to vector<16xi32>
    %mul3A_560 = arith.muli %add3A_557, %mul3A_559 : vector<16xi32>
    %add3A_561 = arith.constant 5 : i32
    %add3A_562 = vector.broadcast %add3A_561 : i32 to vector<16xi32>
    %add3A_563 = arith.addi %mul3A_560, %add3A_562 : vector<16xi32>
    %gather3A_564 = tpu.vector_load_idx %arg4[%add3A_563] : memref<10816xf32, #tpu.memory_space<vmem>>[vector<16xi32>], vector<16xf32>,
    %mul3A_565 = arith.mulf %gather3A_552, %gather3A_564 : vector<16xf32>
    %add3A_566 = arith.addf %add3A_541, %mul3A_565 : vector<16xf32>
    %mul3A_567 = arith.constant 26 : i32
    %mul3A_568 = arith.muli %min3A_1, %mul3A_567 : i32
    %add3A_569 = vector.broadcast %mul3A_568 : i32 to vector<16xi32>
    %add3A_570 = arith.addi %add3A_569, %min3A_414 : vector<16xi32>
    %mul3A_571 = arith.constant 16 : i32
    %mul3A_572 = vector.broadcast %mul3A_571 : i32 to vector<16xi32>
    %mul3A_573 = arith.muli %add3A_570, %mul3A_572 : vector<16xi32>
    %add3A_574 = arith.constant 6 : i32
    %add3A_575 = vector.broadcast %add3A_574 : i32 to vector<16xi32>
    %add3A_576 = arith.addi %mul3A_573, %add3A_575 : vector<16xi32>
    %gather3A_577 = tpu.vector_load_idx %arg4[%add3A_576] : memref<10816xf32, #tpu.memory_space<vmem>>[vector<16xi32>], vector<16xf32>,
    %mul3A_578 = arith.constant 26 : i32
    %mul3A_579 = vector.broadcast %mul3A_578 : i32 to vector<16xi32>
    %mul3A_580 = arith.muli %min3A_414, %mul3A_579 : vector<16xi32>
    %add3A_581 = vector.broadcast %min3A_1 : i32 to vector<16xi32>
    %add3A_582 = arith.addi %mul3A_580, %add3A_581 : vector<16xi32>
    %mul3A_583 = arith.constant 16 : i32
    %mul3A_584 = vector.broadcast %mul3A_583 : i32 to vector<16xi32>
    %mul3A_585 = arith.muli %add3A_582, %mul3A_584 : vector<16xi32>
    %add3A_586 = arith.constant 6 : i32
    %add3A_587 = vector.broadcast %add3A_586 : i32 to vector<16xi32>
    %add3A_588 = arith.addi %mul3A_585, %add3A_587 : vector<16xi32>
    %gather3A_589 = tpu.vector_load_idx %arg4[%add3A_588] : memref<10816xf32, #tpu.memory_space<vmem>>[vector<16xi32>], vector<16xf32>,
    %mul3A_590 = arith.mulf %gather3A_577, %gather3A_589 : vector<16xf32>
    %add3A_591 = arith.addf %add3A_566, %mul3A_590 : vector<16xf32>
    %mul3A_592 = arith.constant 26 : i32
    %mul3A_593 = arith.muli %min3A_1, %mul3A_592 : i32
    %add3A_594 = vector.broadcast %mul3A_593 : i32 to vector<16xi32>
    %add3A_595 = arith.addi %add3A_594, %min3A_414 : vector<16xi32>
    %mul3A_596 = arith.constant 16 : i32
    %mul3A_597 = vector.broadcast %mul3A_596 : i32 to vector<16xi32>
    %mul3A_598 = arith.muli %add3A_595, %mul3A_597 : vector<16xi32>
    %add3A_599 = arith.constant 7 : i32
    %add3A_600 = vector.broadcast %add3A_599 : i32 to vector<16xi32>
    %add3A_601 = arith.addi %mul3A_598, %add3A_600 : vector<16xi32>
    %gather3A_602 = tpu.vector_load_idx %arg4[%add3A_601] : memref<10816xf32, #tpu.memory_space<vmem>>[vector<16xi32>], vector<16xf32>,
    %mul3A_603 = arith.constant 26 : i32
    %mul3A_604 = vector.broadcast %mul3A_603 : i32 to vector<16xi32>
    %mul3A_605 = arith.muli %min3A_414, %mul3A_604 : vector<16xi32>
    %add3A_606 = vector.broadcast %min3A_1 : i32 to vector<16xi32>
    %add3A_607 = arith.addi %mul3A_605, %add3A_606 : vector<16xi32>
    %mul3A_608 = arith.constant 16 : i32
    %mul3A_609 = vector.broadcast %mul3A_608 : i32 to vector<16xi32>
    %mul3A_610 = arith.muli %add3A_607, %mul3A_609 : vector<16xi32>
    %add3A_611 = arith.constant 7 : i32
    %add3A_612 = vector.broadcast %add3A_611 : i32 to vector<16xi32>
    %add3A_613 = arith.addi %mul3A_610, %add3A_612 : vector<16xi32>
    %gather3A_614 = tpu.vector_load_idx %arg4[%add3A_613] : memref<10816xf32, #tpu.memory_space<vmem>>[vector<16xi32>], vector<16xf32>,
    %mul3A_615 = arith.mulf %gather3A_602, %gather3A_614 : vector<16xf32>
    %add3A_616 = arith.addf %add3A_591, %mul3A_615 : vector<16xf32>
    %mul3A_617 = arith.constant 26 : i32
    %mul3A_618 = arith.muli %min3A_1, %mul3A_617 : i32
    %add3A_619 = vector.broadcast %mul3A_618 : i32 to vector<16xi32>
    %add3A_620 = arith.addi %add3A_619, %min3A_414 : vector<16xi32>
    %mul3A_621 = arith.constant 16 : i32
    %mul3A_622 = vector.broadcast %mul3A_621 : i32 to vector<16xi32>
    %mul3A_623 = arith.muli %add3A_620, %mul3A_622 : vector<16xi32>
    %add3A_624 = arith.constant 8 : i32
    %add3A_625 = vector.broadcast %add3A_624 : i32 to vector<16xi32>
    %add3A_626 = arith.addi %mul3A_623, %add3A_625 : vector<16xi32>
    %gather3A_627 = tpu.vector_load_idx %arg4[%add3A_626] : memref<10816xf32, #tpu.memory_space<vmem>>[vector<16xi32>], vector<16xf32>,
    %mul3A_628 = arith.constant 26 : i32
    %mul3A_629 = vector.broadcast %mul3A_628 : i32 to vector<16xi32>
    %mul3A_630 = arith.muli %min3A_414, %mul3A_629 : vector<16xi32>
    %add3A_631 = vector.broadcast %min3A_1 : i32 to vector<16xi32>
    %add3A_632 = arith.addi %mul3A_630, %add3A_631 : vector<16xi32>
    %mul3A_633 = arith.constant 16 : i32
    %mul3A_634 = vector.broadcast %mul3A_633 : i32 to vector<16xi32>
    %mul3A_635 = arith.muli %add3A_632, %mul3A_634 : vector<16xi32>
    %add3A_636 = arith.constant 8 : i32
    %add3A_637 = vector.broadcast %add3A_636 : i32 to vector<16xi32>
    %add3A_638 = arith.addi %mul3A_635, %add3A_637 : vector<16xi32>
    %gather3A_639 = tpu.vector_load_idx %arg4[%add3A_638] : memref<10816xf32, #tpu.memory_space<vmem>>[vector<16xi32>], vector<16xf32>,
    %mul3A_640 = arith.mulf %gather3A_627, %gather3A_639 : vector<16xf32>
    %add3A_641 = arith.addf %add3A_616, %mul3A_640 : vector<16xf32>
    %mul3A_642 = arith.constant 26 : i32
    %mul3A_643 = arith.muli %min3A_1, %mul3A_642 : i32
    %add3A_644 = vector.broadcast %mul3A_643 : i32 to vector<16xi32>
    %add3A_645 = arith.addi %add3A_644, %min3A_414 : vector<16xi32>
    %mul3A_646 = arith.constant 16 : i32
    %mul3A_647 = vector.broadcast %mul3A_646 : i32 to vector<16xi32>
    %mul3A_648 = arith.muli %add3A_645, %mul3A_647 : vector<16xi32>
    %add3A_649 = arith.constant 9 : i32
    %add3A_650 = vector.broadcast %add3A_649 : i32 to vector<16xi32>
    %add3A_651 = arith.addi %mul3A_648, %add3A_650 : vector<16xi32>
    %gather3A_652 = tpu.vector_load_idx %arg4[%add3A_651] : memref<10816xf32, #tpu.memory_space<vmem>>[vector<16xi32>], vector<16xf32>,
    %mul3A_653 = arith.constant 26 : i32
    %mul3A_654 = vector.broadcast %mul3A_653 : i32 to vector<16xi32>
    %mul3A_655 = arith.muli %min3A_414, %mul3A_654 : vector<16xi32>
    %add3A_656 = vector.broadcast %min3A_1 : i32 to vector<16xi32>
    %add3A_657 = arith.addi %mul3A_655, %add3A_656 : vector<16xi32>
    %mul3A_658 = arith.constant 16 : i32
    %mul3A_659 = vector.broadcast %mul3A_658 : i32 to vector<16xi32>
    %mul3A_660 = arith.muli %add3A_657, %mul3A_659 : vector<16xi32>
    %add3A_661 = arith.constant 9 : i32
    %add3A_662 = vector.broadcast %add3A_661 : i32 to vector<16xi32>
    %add3A_663 = arith.addi %mul3A_660, %add3A_662 : vector<16xi32>
    %gather3A_664 = tpu.vector_load_idx %arg4[%add3A_663] : memref<10816xf32, #tpu.memory_space<vmem>>[vector<16xi32>], vector<16xf32>,
    %mul3A_665 = arith.mulf %gather3A_652, %gather3A_664 : vector<16xf32>
    %add3A_666 = arith.addf %add3A_641, %mul3A_665 : vector<16xf32>
    %mul3A_667 = arith.constant 26 : i32
    %mul3A_668 = arith.muli %min3A_1, %mul3A_667 : i32
    %add3A_669 = vector.broadcast %mul3A_668 : i32 to vector<16xi32>
    %add3A_670 = arith.addi %add3A_669, %min3A_414 : vector<16xi32>
    %mul3A_671 = arith.constant 16 : i32
    %mul3A_672 = vector.broadcast %mul3A_671 : i32 to vector<16xi32>
    %mul3A_673 = arith.muli %add3A_670, %mul3A_672 : vector<16xi32>
    %add3A_674 = arith.constant 10 : i32
    %add3A_675 = vector.broadcast %add3A_674 : i32 to vector<16xi32>
    %add3A_676 = arith.addi %mul3A_673, %add3A_675 : vector<16xi32>
    %gather3A_677 = tpu.vector_load_idx %arg4[%add3A_676] : memref<10816xf32, #tpu.memory_space<vmem>>[vector<16xi32>], vector<16xf32>,
    %mul3A_678 = arith.constant 26 : i32
    %mul3A_679 = vector.broadcast %mul3A_678 : i32 to vector<16xi32>
    %mul3A_680 = arith.muli %min3A_414, %mul3A_679 : vector<16xi32>
    %add3A_681 = vector.broadcast %min3A_1 : i32 to vector<16xi32>
    %add3A_682 = arith.addi %mul3A_680, %add3A_681 : vector<16xi32>
    %mul3A_683 = arith.constant 16 : i32
    %mul3A_684 = vector.broadcast %mul3A_683 : i32 to vector<16xi32>
    %mul3A_685 = arith.muli %add3A_682, %mul3A_684 : vector<16xi32>
    %add3A_686 = arith.constant 10 : i32
    %add3A_687 = vector.broadcast %add3A_686 : i32 to vector<16xi32>
    %add3A_688 = arith.addi %mul3A_685, %add3A_687 : vector<16xi32>
    %gather3A_689 = tpu.vector_load_idx %arg4[%add3A_688] : memref<10816xf32, #tpu.memory_space<vmem>>[vector<16xi32>], vector<16xf32>,
    %mul3A_690 = arith.mulf %gather3A_677, %gather3A_689 : vector<16xf32>
    %add3A_691 = arith.addf %add3A_666, %mul3A_690 : vector<16xf32>
    %mul3A_692 = arith.constant 26 : i32
    %mul3A_693 = arith.muli %min3A_1, %mul3A_692 : i32
    %add3A_694 = vector.broadcast %mul3A_693 : i32 to vector<16xi32>
    %add3A_695 = arith.addi %add3A_694, %min3A_414 : vector<16xi32>
    %mul3A_696 = arith.constant 16 : i32
    %mul3A_697 = vector.broadcast %mul3A_696 : i32 to vector<16xi32>
    %mul3A_698 = arith.muli %add3A_695, %mul3A_697 : vector<16xi32>
    %add3A_699 = arith.constant 11 : i32
    %add3A_700 = vector.broadcast %add3A_699 : i32 to vector<16xi32>
    %add3A_701 = arith.addi %mul3A_698, %add3A_700 : vector<16xi32>
    %gather3A_702 = tpu.vector_load_idx %arg4[%add3A_701] : memref<10816xf32, #tpu.memory_space<vmem>>[vector<16xi32>], vector<16xf32>,
    %mul3A_703 = arith.constant 26 : i32
    %mul3A_704 = vector.broadcast %mul3A_703 : i32 to vector<16xi32>
    %mul3A_705 = arith.muli %min3A_414, %mul3A_704 : vector<16xi32>
    %add3A_706 = vector.broadcast %min3A_1 : i32 to vector<16xi32>
    %add3A_707 = arith.addi %mul3A_705, %add3A_706 : vector<16xi32>
    %mul3A_708 = arith.constant 16 : i32
    %mul3A_709 = vector.broadcast %mul3A_708 : i32 to vector<16xi32>
    %mul3A_710 = arith.muli %add3A_707, %mul3A_709 : vector<16xi32>
    %add3A_711 = arith.constant 11 : i32
    %add3A_712 = vector.broadcast %add3A_711 : i32 to vector<16xi32>
    %add3A_713 = arith.addi %mul3A_710, %add3A_712 : vector<16xi32>
    %gather3A_714 = tpu.vector_load_idx %arg4[%add3A_713] : memref<10816xf32, #tpu.memory_space<vmem>>[vector<16xi32>], vector<16xf32>,
    %mul3A_715 = arith.mulf %gather3A_702, %gather3A_714 : vector<16xf32>
    %add3A_716 = arith.addf %add3A_691, %mul3A_715 : vector<16xf32>
    %mul3A_717 = arith.constant 26 : i32
    %mul3A_718 = arith.muli %min3A_1, %mul3A_717 : i32
    %add3A_719 = vector.broadcast %mul3A_718 : i32 to vector<16xi32>
    %add3A_720 = arith.addi %add3A_719, %min3A_414 : vector<16xi32>
    %mul3A_721 = arith.constant 16 : i32
    %mul3A_722 = vector.broadcast %mul3A_721 : i32 to vector<16xi32>
    %mul3A_723 = arith.muli %add3A_720, %mul3A_722 : vector<16xi32>
    %add3A_724 = arith.constant 12 : i32
    %add3A_725 = vector.broadcast %add3A_724 : i32 to vector<16xi32>
    %add3A_726 = arith.addi %mul3A_723, %add3A_725 : vector<16xi32>
    %gather3A_727 = tpu.vector_load_idx %arg4[%add3A_726] : memref<10816xf32, #tpu.memory_space<vmem>>[vector<16xi32>], vector<16xf32>,
    %mul3A_728 = arith.constant 26 : i32
    %mul3A_729 = vector.broadcast %mul3A_728 : i32 to vector<16xi32>
    %mul3A_730 = arith.muli %min3A_414, %mul3A_729 : vector<16xi32>
    %add3A_731 = vector.broadcast %min3A_1 : i32 to vector<16xi32>
    %add3A_732 = arith.addi %mul3A_730, %add3A_731 : vector<16xi32>
    %mul3A_733 = arith.constant 16 : i32
    %mul3A_734 = vector.broadcast %mul3A_733 : i32 to vector<16xi32>
    %mul3A_735 = arith.muli %add3A_732, %mul3A_734 : vector<16xi32>
    %add3A_736 = arith.constant 12 : i32
    %add3A_737 = vector.broadcast %add3A_736 : i32 to vector<16xi32>
    %add3A_738 = arith.addi %mul3A_735, %add3A_737 : vector<16xi32>
    %gather3A_739 = tpu.vector_load_idx %arg4[%add3A_738] : memref<10816xf32, #tpu.memory_space<vmem>>[vector<16xi32>], vector<16xf32>,
    %mul3A_740 = arith.mulf %gather3A_727, %gather3A_739 : vector<16xf32>
    %add3A_741 = arith.addf %add3A_716, %mul3A_740 : vector<16xf32>
    %mul3A_742 = arith.constant 26 : i32
    %mul3A_743 = arith.muli %min3A_1, %mul3A_742 : i32
    %add3A_744 = vector.broadcast %mul3A_743 : i32 to vector<16xi32>
    %add3A_745 = arith.addi %add3A_744, %min3A_414 : vector<16xi32>
    %mul3A_746 = arith.constant 16 : i32
    %mul3A_747 = vector.broadcast %mul3A_746 : i32 to vector<16xi32>
    %mul3A_748 = arith.muli %add3A_745, %mul3A_747 : vector<16xi32>
    %add3A_749 = arith.constant 13 : i32
    %add3A_750 = vector.broadcast %add3A_749 : i32 to vector<16xi32>
    %add3A_751 = arith.addi %mul3A_748, %add3A_750 : vector<16xi32>
    %gather3A_752 = tpu.vector_load_idx %arg4[%add3A_751] : memref<10816xf32, #tpu.memory_space<vmem>>[vector<16xi32>], vector<16xf32>,
    %mul3A_753 = arith.constant 26 : i32
    %mul3A_754 = vector.broadcast %mul3A_753 : i32 to vector<16xi32>
    %mul3A_755 = arith.muli %min3A_414, %mul3A_754 : vector<16xi32>
    %add3A_756 = vector.broadcast %min3A_1 : i32 to vector<16xi32>
    %add3A_757 = arith.addi %mul3A_755, %add3A_756 : vector<16xi32>
    %mul3A_758 = arith.constant 16 : i32
    %mul3A_759 = vector.broadcast %mul3A_758 : i32 to vector<16xi32>
    %mul3A_760 = arith.muli %add3A_757, %mul3A_759 : vector<16xi32>
    %add3A_761 = arith.constant 13 : i32
    %add3A_762 = vector.broadcast %add3A_761 : i32 to vector<16xi32>
    %add3A_763 = arith.addi %mul3A_760, %add3A_762 : vector<16xi32>
    %gather3A_764 = tpu.vector_load_idx %arg4[%add3A_763] : memref<10816xf32, #tpu.memory_space<vmem>>[vector<16xi32>], vector<16xf32>,
    %mul3A_765 = arith.mulf %gather3A_752, %gather3A_764 : vector<16xf32>
    %add3A_766 = arith.addf %add3A_741, %mul3A_765 : vector<16xf32>
    %mul3A_767 = arith.constant 26 : i32
    %mul3A_768 = arith.muli %min3A_1, %mul3A_767 : i32
    %add3A_769 = vector.broadcast %mul3A_768 : i32 to vector<16xi32>
    %add3A_770 = arith.addi %add3A_769, %min3A_414 : vector<16xi32>
    %mul3A_771 = arith.constant 16 : i32
    %mul3A_772 = vector.broadcast %mul3A_771 : i32 to vector<16xi32>
    %mul3A_773 = arith.muli %add3A_770, %mul3A_772 : vector<16xi32>
    %add3A_774 = arith.constant 14 : i32
    %add3A_775 = vector.broadcast %add3A_774 : i32 to vector<16xi32>
    %add3A_776 = arith.addi %mul3A_773, %add3A_775 : vector<16xi32>
    %gather3A_777 = tpu.vector_load_idx %arg4[%add3A_776] : memref<10816xf32, #tpu.memory_space<vmem>>[vector<16xi32>], vector<16xf32>,
    %mul3A_778 = arith.constant 26 : i32
    %mul3A_779 = vector.broadcast %mul3A_778 : i32 to vector<16xi32>
    %mul3A_780 = arith.muli %min3A_414, %mul3A_779 : vector<16xi32>
    %add3A_781 = vector.broadcast %min3A_1 : i32 to vector<16xi32>
    %add3A_782 = arith.addi %mul3A_780, %add3A_781 : vector<16xi32>
    %mul3A_783 = arith.constant 16 : i32
    %mul3A_784 = vector.broadcast %mul3A_783 : i32 to vector<16xi32>
    %mul3A_785 = arith.muli %add3A_782, %mul3A_784 : vector<16xi32>
    %add3A_786 = arith.constant 14 : i32
    %add3A_787 = vector.broadcast %add3A_786 : i32 to vector<16xi32>
    %add3A_788 = arith.addi %mul3A_785, %add3A_787 : vector<16xi32>
    %gather3A_789 = tpu.vector_load_idx %arg4[%add3A_788] : memref<10816xf32, #tpu.memory_space<vmem>>[vector<16xi32>], vector<16xf32>,
    %mul3A_790 = arith.mulf %gather3A_777, %gather3A_789 : vector<16xf32>
    %add3A_791 = arith.addf %add3A_766, %mul3A_790 : vector<16xf32>
    %mul3A_792 = arith.constant 26 : i32
    %mul3A_793 = arith.muli %min3A_1, %mul3A_792 : i32
    %add3A_794 = vector.broadcast %mul3A_793 : i32 to vector<16xi32>
    %add3A_795 = arith.addi %add3A_794, %min3A_414 : vector<16xi32>
    %mul3A_796 = arith.constant 16 : i32
    %mul3A_797 = vector.broadcast %mul3A_796 : i32 to vector<16xi32>
    %mul3A_798 = arith.muli %add3A_795, %mul3A_797 : vector<16xi32>
    %add3A_799 = arith.constant 15 : i32
    %add3A_800 = vector.broadcast %add3A_799 : i32 to vector<16xi32>
    %add3A_801 = arith.addi %mul3A_798, %add3A_800 : vector<16xi32>
    %gather3A_802 = tpu.vector_load_idx %arg4[%add3A_801] : memref<10816xf32, #tpu.memory_space<vmem>>[vector<16xi32>], vector<16xf32>,
    %mul3A_803 = arith.constant 26 : i32
    %mul3A_804 = vector.broadcast %mul3A_803 : i32 to vector<16xi32>
    %mul3A_805 = arith.muli %min3A_414, %mul3A_804 : vector<16xi32>
    %add3A_806 = vector.broadcast %min3A_1 : i32 to vector<16xi32>
    %add3A_807 = arith.addi %mul3A_805, %add3A_806 : vector<16xi32>
    %mul3A_808 = arith.constant 16 : i32
    %mul3A_809 = vector.broadcast %mul3A_808 : i32 to vector<16xi32>
    %mul3A_810 = arith.muli %add3A_807, %mul3A_809 : vector<16xi32>
    %add3A_811 = arith.constant 15 : i32
    %add3A_812 = vector.broadcast %add3A_811 : i32 to vector<16xi32>
    %add3A_813 = arith.addi %mul3A_810, %add3A_812 : vector<16xi32>
    %gather3A_814 = tpu.vector_load_idx %arg4[%add3A_813] : memref<10816xf32, #tpu.memory_space<vmem>>[vector<16xi32>], vector<16xf32>,
    %mul3A_815 = arith.mulf %gather3A_802, %gather3A_814 : vector<16xf32>
    %add3A_816 = arith.addf %add3A_791, %mul3A_815 : vector<16xf32>
    %swap3A_817 = arith.constant 16 : index
    %swap3A_818 = tpu.vector_load %arg5[%swap3A_817] {strides = array<i32>} : memref<32xf32, #tpu.memory_space<vmem>>, vector<16xf32>,
    tpu.vector_store %arg5[%swap3A_817], %add3A_816 {strides = array<i32>} : memref<32xf32, #tpu.memory_space<vmem>>, vector<16xf32>,
    %mul3A_819 = arith.constant 32 : i32
    %mul3A_820 = arith.muli %add3A, %mul3A_819 : i32
    "tpu.region"() ({
      %run_scoped3A = tpu.sem_alloc : memref<!tpu.dma_semaphore, #tpu.memory_space<semaphore_mem>>
      %dma_start3A = tpu.memref_slice %arg3[%mul3A_820] : memref<1024xf32, #tpu.memory_space<hbm>> -> memref<32xf32, #tpu.memory_space<hbm>>
      %dma_start3A_821 = tpu.memref_slice %arg3[%mul3A_820] : memref<1024xf32, #tpu.memory_space<hbm>> -> memref<32xf32, #tpu.memory_space<hbm>>
      tpu.enqueue_dma source(%arg5 : memref<32xf32, #tpu.memory_space<vmem>>) target(%dma_start3A_821 : memref<32xf32, #tpu.memory_space<hbm>>) target_semaphore(%run_scoped3A : memref<!tpu.dma_semaphore, #tpu.memory_space<semaphore_mem>>)
      %dma_wait3A = tpu.memref_slice %arg3[%mul3A_820] : memref<1024xf32, #tpu.memory_space<hbm>> -> memref<32xf32, #tpu.memory_space<hbm>>
      %dma_wait3A_822 = tpu.memref_slice %arg3[%mul3A_820] : memref<1024xf32, #tpu.memory_space<hbm>> -> memref<32xf32, #tpu.memory_space<hbm>>
      tpu.wait_dma2 semaphore(%run_scoped3A : memref<!tpu.dma_semaphore, #tpu.memory_space<semaphore_mem>>) src(%arg5 : memref<32xf32, #tpu.memory_space<vmem>>) dst(%dma_wait3A_822 : memref<32xf32, #tpu.memory_space<hbm>>)
      tpu.yield
    }) : () -> ()
    return
  }
}

module attributes {stable_mosaic.version = 14 : i64} {
  func.func @_tc_body(%arg0: i32, %arg1: memref<2048x26xf32, #tpu.memory_space<vmem>>, %arg2: memref<32x32xf32, #tpu.memory_space<vmem>>, %arg3: memref<1x26xf32, #tpu.memory_space<vmem>>, %arg4: memref<1x1xf32, #tpu.memory_space<vmem>>, %arg5: memref<2048x1xf32, #tpu.memory_space<vmem>>) attributes {dimension_semantics = [#tpu.dimension_semantics<arbitrary>], iteration_bounds = array<i64: 8>, scalar_prefetch = 0 : i64, scratch_operands = 0 : i64, tpu.core_type = #tpu.core_type<tc>, window_params = [{transform_indices = @transform_0, window_bounds = array<i64: 2048, 26>}, {pipeline_mode = #tpu.pipeline_mode<synchronous>, transform_indices = @transform_1, window_bounds = array<i64: 32, 32>}, {pipeline_mode = #tpu.pipeline_mode<synchronous>, transform_indices = @transform_2, window_bounds = array<i64: 1, 26>}, {pipeline_mode = #tpu.pipeline_mode<synchronous>, transform_indices = @transform_3, window_bounds = array<i64: 1, 1>}, {transform_indices = @transform_4, window_bounds = array<i64: 2048, 1>}]} {
    %get3A = arith.constant 0 : index
    %get3A_0 = arith.constant 0 : index
    %get3A_1 = vector.load %arg1[%get3A, %get3A_0] : memref<2048x26xf32, #tpu.memory_space<vmem>>, vector<2048x26xf32>
    %get3A_2 = arith.constant 0 : index
    %get3A_3 = arith.constant 0 : index
    %get3A_4 = vector.load %arg2[%get3A_2, %get3A_3] : memref<32x32xf32, #tpu.memory_space<vmem>>, vector<32x32xf32>
    %slice3A = vector.extract_strided_slice %get3A_4 {offsets = [0, 0], sizes = [26, 26], strides = [1, 1]} : vector<32x32xf32> to vector<26x26xf32>
    %iota3A = tpu.iota {dimensions = array<i32: 0>} : vector<26x26xi32>
    %iota3A_5 = tpu.iota {dimensions = array<i32: 1>} : vector<26x26xi32>
    %eq3A = arith.cmpi eq, %iota3A, %iota3A_5 : vector<26x26xi32>
    %jit3A = arith.constant 0.000000e+00 : f32
    %broadcast_in_dim3A = vector.broadcast %jit3A : f32 to vector<26x26xf32>
    %select_n3A = arith.select %eq3A, %broadcast_in_dim3A, %slice3A : vector<26x26xi1>, vector<26x26xf32>
    %mul3A = arith.constant 5.000000e-01 : f32
    %mul3A_6 = vector.broadcast %mul3A : f32 to vector<26x26xf32>
    %mul3A_7 = arith.mulf %select_n3A, %mul3A_6 : vector<26x26xf32>
    %dot_general3A = arith.constant dense<0.000000e+00> : vector<2048x26xf32>
    %dot_general3A_8 = tpu.matmul %get3A_1, %mul3A_7, %dot_general3A {dimension_numbers = #tpu.dot_dimension_numbers<[1], [0], [0], [1], [0, 0, 1, 1], [], []>, transpose_lhs_hint = false} : vector<2048x26xf32>, vector<26x26xf32>, vector<2048x26xf32> -> vector<2048x26xf32>
    %get3A_9 = arith.constant 0 : index
    %get3A_10 = arith.constant 0 : index
    %get3A_11 = vector.load %arg3[%get3A_9, %get3A_10] : memref<1x26xf32, #tpu.memory_space<vmem>>, vector<1x26xf32>
    %add3A = vector.broadcast %get3A_11 : vector<1x26xf32> to vector<2048x26xf32>
    %add3A_12 = arith.addf %dot_general3A_8, %add3A : vector<2048x26xf32>
    %mul3A_13 = arith.mulf %get3A_1, %add3A_12 : vector<2048x26xf32>
    %reduce_sum3A = arith.constant dense<0.000000e+00> : vector<2048xf32>
    %reduce_sum3A_14 = vector.multi_reduction <add>, %mul3A_13, %reduce_sum3A [1] : vector<2048x26xf32> to vector<2048xf32>
    %broadcast_in_dim3A_15 = vector.shape_cast %reduce_sum3A_14 : vector<2048xf32> to vector<2048x1xf32>
    %get3A_16 = arith.constant 0 : index
    %get3A_17 = arith.constant 0 : index
    %get3A_18 = vector.load %arg4[%get3A_16, %get3A_17] : memref<1x1xf32, #tpu.memory_space<vmem>>, vector<1x1xf32>
    %add3A_19 = vector.broadcast %get3A_18 : vector<1x1xf32> to vector<2048x1xf32>
    %add3A_20 = arith.addf %broadcast_in_dim3A_15, %add3A_19 : vector<2048x1xf32>
    %swap3A = arith.constant 0 : index
    %swap3A_21 = arith.constant 0 : index
    %swap3A_22 = vector.load %arg5[%swap3A, %swap3A_21] : memref<2048x1xf32, #tpu.memory_space<vmem>>, vector<2048x1xf32>
    tpu.vector_store %arg5[%swap3A, %swap3A_21], %add3A_20 {strides = array<i32>} : memref<2048x1xf32, #tpu.memory_space<vmem>>, vector<2048x1xf32>,
    return
  }
  func.func @transform_0(%arg0: i32) -> (i32, i32) {
    %c0_i32 = arith.constant 0 : i32
    %c0_i32_0 = arith.constant 0 : i32
    return %arg0, %c0_i32 : i32, i32
  }
  func.func @transform_1(%arg0: i32) -> (i32, i32) {
    %c0_i32 = arith.constant 0 : i32
    %c0_i32_0 = arith.constant 0 : i32
    %c0_i32_1 = arith.constant 0 : i32
    return %c0_i32, %c0_i32_0 : i32, i32
  }
  func.func @transform_2(%arg0: i32) -> (i32, i32) {
    %c0_i32 = arith.constant 0 : i32
    %c0_i32_0 = arith.constant 0 : i32
    %c0_i32_1 = arith.constant 0 : i32
    return %c0_i32, %c0_i32_0 : i32, i32
  }
  func.func @transform_3(%arg0: i32) -> (i32, i32) {
    %c0_i32 = arith.constant 0 : i32
    %c0_i32_0 = arith.constant 0 : i32
    %c0_i32_1 = arith.constant 0 : i32
    return %c0_i32, %c0_i32_0 : i32, i32
  }
  func.func @transform_4(%arg0: i32) -> (i32, i32) {
    %c0_i32 = arith.constant 0 : i32
    %c0_i32_0 = arith.constant 0 : i32
    return %arg0, %c0_i32 : i32, i32
  }
}

</mosaic_0001>

<sc_bundles>
// kernel: kernel.4.cloned.1.call-start
scs
__scs_entry_jumppad:
0x0: {  	(pc) =	sbr.rel $0x88, $3  }
0x1: {  	(tag) =	ssettag $0x0;
	lr =	simm.s32 $0x1  }
0x2: {  	[smem:$0x3F9D] =	sst lr;
	_ =	strace $0xD0000000  }
0x3: {  	_ = 	snop  }
0x4: {  	_ = 	snop  }
0x5: {  	_ = 	snop  }
0x6: {  	_ = 	snop  }
0x7: {  	_ = 	snop  }
__scs_overlays_trampoline_lowered:
0x8: {  	[smem:$0x3FAC] =	sst s0  }
0x9: {  	[smem:$0x3FAD] =	sst s1  }
0xa: {  	[smem:$0x3FAE] =	sst s2  }
0xb: {  	[smem:$0x3FAF] =	sst s3  }
0xc: {  	[smem:$0x3FB0] =	sst s4  }
0xd: {  	[smem:$0x3FB1] =	sst s5  }
0xe: {  	[smem:$0x3FB2] =	sst s6  }
0xf: {  	[smem:$0x3FB3] =	sst s7  }
0x10: {  	[smem:$0x3FB4] =	sst s8  }
0x11: {  	[smem:$0x3FB5] =	sst s9;
	s0 =	simm.s32 @!p0 $0x0  }
0x12: {  	s1 =	sld [smem:$0x3F9B];
	s0 =	simm.s32 @p0 $0x1  }
0x13: {  	[smem:$0x3FB6] =	sst s0;
	s0 =	simm.s32 @!p1 $0x0  }
0x14: {  	s2 =	sld [smem:$0x3F9A];
	s0 =	simm.s32 @p1 $0x1  }
0x15: {  	[smem:$0x3FB7] =	sst s0;
	s0 =	simm.s32 @!p2 $0x0  }
0x16: {  	s3 =	sld [smem:$0x3FDB];
	s0 =	simm.s32 @p2 $0x1  }
0x17: {  	s4 =	simm.s32 $0x1BF5;
	[smem:$0x3FB9] =	sst s0  }
0x18: {  	s0 =	sld [smem:$0x3F9C];
	_ =	swait.ge [sflag:s4], $0x0  }
0x19: {  	s7 =	sld [smem:$0x3F9D]  }
0x1a: {  	s8 =	sadd.s32 $0xFFFFE003, lr  }
0x1b: {  	s9 =	sadd.s32 $0xFFFFFEF7, lr;
	s5 =	simm.s32 $0xFFFFFFFF;
	p2 =	slt.u32 s8, $0xFFFFF086  }
0x1c: {  	p1 =	slt.u32 s9, $0xF7A;
	s5 =	simm.s32 @!p2 $0x0  }
0x1d: {  	s5 =	simm.s32 @p1 $0x1;
	p0 =	seq.s32 s7, s2  }
0x1e: {  	s7 =	smul.u32 @!p0 $0xF7A, s2;
	p2 =	seq.s32 @!p0 s5, $0x0  }
0x1f: {  	s9 =	smul.u32 $0xF7A, s1;
	s8 =	simm.s32 @!p0 $0x1BF5;
	p2 =	por !p2, p0  }
0x20: {  	[sflag:s8] =	ssyncset.s32 @!p0 $0xFFFFF086;
	s6 =	sadd.s32 @!p0 s3, s7;
	s7 =	simm.s32 @!p0 $0x108  }
0x21: {  	s3 =	sadd.s32 s3, s9;
	s6 =	sadd.s32 @!p0 $0x88, s6;
	s7 =	simm.s32 @p2 $0x1082  }
0x22: {  	[simem:s7], [sflag:s8] =	dma.local @!p0 [hbm:s6], $0xF7A  }
0x23: {  	s9 =	sor.u32 $0xD0000000, s2;
	s6 =	simm.s32 $0x108;
	_ =	swait.ge @!p0 [sflag:s8], $0x0  }
0x24: {  	s3 =	sadd.s32 $0x88, s3;
	s6 =	simm.s32 @!p1 $0x1082;
	[sflag:s4] =	ssyncset.s32 $0xFFFFF086  }
0x25: {  	[simem:s6], [sflag:s4] =	dma.local [hbm:s3], $0xF7A  }
0x26: {  	[smem:$0x3F9D] =	sst s1;
	(tag) =	ssettag s2;
	_ =	strace s9  }
0x27: {  	s1 =	sld [smem:$0x3FAD]  }
0x28: {  	s2 =	sld [smem:$0x3FAE]  }
0x29: {  	s4 =	sld [smem:$0x3FB0]  }
0x2a: {  	p0 =	seq.s32 s5, $0x0;
	s5 =	sld [smem:$0x3FB1]  }
0x2b: {  	s6 =	sld [smem:$0x3FB2]  }
0x2c: {  	s7 =	sld [smem:$0x3FB3]  }
0x2d: {  	s3 =	simm.s32 $0x108;
	s8 =	sld [smem:$0x3FB4]  }
0x2e: {  	s3 =	simm.s32 @!p0 $0x1082;
	s9 =	sld [smem:$0x3FB5]  }
0x2f: {  	lr =	sadd.s32 s0, s3;
	s0 =	sld [smem:$0x3FAC]  }
0x30: {  	s3 =	sld [smem:$0x3FAF]  }
0x31: {  	[smem:$0x3FB8] =	sst s10  }
0x32: {  	s10 =	sld [smem:$0x3FB6];
	_ =	sdelay $0x3  }
0x33: {  	p0 =	seq.s32 s10, $0x1;
	s10 =	sld [smem:$0x3FB8];
	_ =	sdelay $0x3  }
0x34: {  	[smem:$0x3FB8] =	sst s10  }
0x35: {  	s10 =	sld [smem:$0x3FB7];
	_ =	sdelay $0x3  }
0x36: {  	p1 =	seq.s32 s10, $0x1;
	s10 =	sld [smem:$0x3FB8];
	_ =	sdelay $0x3  }
0x37: {  	[smem:$0x3FB8] =	sst s10  }
0x38: {  	s10 =	sld [smem:$0x3FB9]  }
0x39: {  	_ = 	snop;
	(pc) =	sbr.ind lr, $3  }
0x3a: {  	_ = 	snop  }
0x3b: {  	_ = 	snop  }
0x3c: {  	p2 =	seq.s32 s10, $0x1;
	s10 =	sld [smem:$0x3FB8]  }
0x3d: {  	_ =	shalt  }
0x3e: {  	_ =	shalt  }
0x3f: {  	_ =	shalt  }
0x40: {  	_ =	shalt  }
0x41: {  	_ =	shalt  }
0x42: {  	_ =	shalt  }
0x43: {  	_ =	shalt  }
0x44: {  	_ =	shalt  }
0x45: {  	_ =	shalt  }
0x46: {  	_ =	shalt  }
0x47: {  	_ =	shalt  }
0x48: {  	_ =	shalt  }
0x49: {  	_ =	shalt  }
0x4a: {  	_ =	shalt  }
0x4b: {  	_ =	shalt  }
0x4c: {  	_ =	shalt  }
0x4d: {  	_ =	shalt  }
0x4e: {  	_ =	shalt  }
0x4f: {  	_ =	shalt  }
0x50: {  	_ =	shalt  }
0x51: {  	_ =	shalt  }
0x52: {  	_ =	shalt  }
0x53: {  	_ =	shalt  }
0x54: {  	_ =	shalt  }
0x55: {  	_ =	shalt  }
0x56: {  	_ =	shalt  }
0x57: {  	_ =	shalt  }
0x58: {  	_ =	shalt  }
0x59: {  	_ =	shalt  }
0x5a: {  	_ =	shalt  }
0x5b: {  	_ =	shalt  }
0x5c: {  	_ =	shalt  }
0x5d: {  	_ =	shalt  }
0x5e: {  	_ =	shalt  }
0x5f: {  	_ =	shalt  }
0x60: {  	_ =	shalt  }
0x61: {  	_ =	shalt  }
0x62: {  	_ =	shalt  }
0x63: {  	_ =	shalt  }
0x64: {  	_ =	shalt  }
0x65: {  	_ =	shalt  }
0x66: {  	_ =	shalt  }
0x67: {  	_ =	shalt  }
0x68: {  	_ =	shalt  }
0x69: {  	_ =	shalt  }
0x6a: {  	_ =	shalt  }
0x6b: {  	_ =	shalt  }
0x6c: {  	_ =	shalt  }
0x6d: {  	_ =	shalt  }
0x6e: {  	_ =	shalt  }
0x6f: {  	_ =	shalt  }
0x70: {  	_ =	shalt  }
0x71: {  	_ =	shalt  }
0x72: {  	_ =	shalt  }
0x73: {  	_ =	shalt  }
0x74: {  	_ =	shalt  }
0x75: {  	_ =	shalt  }
0x76: {  	_ =	shalt  }
0x77: {  	_ =	shalt  }
0x78: {  	_ =	shalt  }
0x79: {  	_ =	shalt  }
0x7a: {  	_ =	shalt  }
0x7b: {  	_ =	shalt  }
0x7c: {  	_ =	shalt  }
0x7d: {  	_ =	shalt  }
0x7e: {  	_ =	shalt  }
0x7f: {  	_ =	shalt  }
0x80: {  	_ =	shalt  }
0x81: {  	_ =	shalt  }
0x82: {  	_ =	shalt  }
0x83: {  	_ =	shalt  }
0x84: {  	_ =	shalt  }
0x85: {  	_ =	shalt  }
0x86: {  	_ =	shalt  }
0x87: {  	_ =	shalt  }
.Lfunc_end0:
.L_simem_size_0:
called_computation_lowered:
.L_overlay_start_0:
0x88: {  	s2 =	sld [smem:$0x3FD9]  }
0x89: {  	s3 =	sld [smem:$0x3FFE];
	_ =	sdelay $0x1  }
0x8a: {  	s1 =	srdreg.scid  }
0x8b: {  	s0 =	sand.u32 $0x1, s1  }
0x8c: {  	s17 =	sshll.u32 s0, $0xA;
	s2 =	sadd.s32 s3, s2  }
0x8d: {  	s2 =	sadd.s32 s2, s17  }
0x8e: {  	[smem:$0x3FC4] =	sst s2  }
0x8f: {  	_ = 	snop  }
0x90: {  	s2 =	sld [smem:$0x3FD0];
	(tm) =	ssettm $0x1  }
0x91: {  	s18 =	sld [smem:$0x3FFB];
	_ =	sdelay $0x3  }
0x92: {  	_ =	strace s18  }
0x93: {  	s3 =	sld [smem:$0x3FFC];
	_ =	sdelay $0x3  }
0x94: {  	_ =	strace s3  }
0x95: {  	s3 =	sld [smem:$0x3FFD];
	_ =	sdelay $0x3  }
0x96: {  	_ =	strace s3  }
0x97: {  	_ =	strace $0x8FFFFFFF  }
0x98: {  	s19 =	sld [smem:$0x3FDB];
	_ =	sdelay $0x1  }
0x99: {  	s4 =	simm.s32 $_scs_section_size  }
0x9a: {  	s5 =	simm.s32 $_size__tile_overlayer_lowered;
	s6 =	simm.s32 $_tile_overlayer_lowered  }
0x9b: {  	s22 =	simm.s32 $0x1BFF;
	s21 =	sshll.u32 s6, $0x1;
	s3 =	sadd.s32 s4, s19  }
0x9c: {  	s7 =	simm.s32 $0x0;
	s20 =	sshll.u32 s5, $0x1;
	s5 =	sadd.s32 s21, s3  }
0x9d: {  	[timem:s7], [sflag:s22] =	dma.local [hbm:s5], s20  }
0x9e: {  	_ =	swait.ge [sflag:s22], s20  }
0x9f: {  	s4 =	ssub.s32 $0x0, s20;
	[sflag:s22] =	ssyncset.done $0x0  }
0xa0: {  	[sflag:s22] =	ssyncadd.s32 s4;
	_ =	sdelay $0x1  }
0xa1: {  	s23 =	simm.s32 $0x1B8B  }
0xa2: {  	_ =	swait.ge [sflag:s23], $0x1  }
0xa3: {  	[sflag:s23] =	ssyncset.done $0x0  }
0xa4: {  	s25 =	simm.s32 $0x1B8E;
	s24 =	sld [smem:$0x3FFE];
	[sflag:s23] =	ssyncadd.s32 $0xFFFFFFFF  }
0xa5: {  	s26 =	simm.s32 $execute0_lowered;
	[smem:$0x3FD2] =	sst s25  }
0xa6: {  	s5 =	sshll.u32 s26, $0x1;
	_ =	strace $0x80000046;
	[dreg:$0x1] =	wrdreg $0xFFFFFFFF  }
0xa7: {  	s28 =	simm.s32 $_size_execute0_lowered;
	s3 =	sadd.s32 s3, s5;
	[dreg:$0x0] =	wrdreg $0x0  }
0xa8: {  	s5 =	sshll.u32 s28, $0x1;
	[dreg:$0x2] =	wrdreg s3  }
0xa9: {  	[dreg:$0x3] =	wrdreg s5  }
0xaa: {  	[dreg:$0x4] =	wrdreg $0xC0  }
0xab: {  	_ =	task [dreg:s7], $0x5FFFF  }
0xac: {  	[dreg:$0x1] =	wrdreg $0xFFFFFFFF  }
0xad: {  	[dreg:$0x0] =	wrdreg $0x60  }
0xae: {  	[dreg:$0x2] =	wrdreg s2  }
0xaf: {  	[dreg:$0x3] =	wrdreg s24  }
0xb0: {  	[dreg:$0x4] =	wrdreg $0x9  }
0xb1: {  	_ =	task.clear_ibuf [dreg:s7], $0x5FFFF;
	_ =	strace $0x90000046  }
0xb2: {  	s29 =	simm.s32 $0x9;
	_ =	strace $0x80000048  }
0xb3: {  	_ =	swait.ge [sflag:s29], $0x1  }
0xb4: {  	[sflag:s29] =	ssyncadd.s32 $0xFFFFFFFF  }
0xb5: {  	_ =	strace $0x90000048  }
0xb6: {  	_ =	sfence  }
0xb7: {  	s30 =	sld [smem:$0x0];
	_ =	sdelay $0x2  }
0xb8: {  	s31 =	sshll.u32 s1, $0xD;
	s1 =	sshrl.u32 s1, $0x2  }
0xb9: {  	s3 =	sand.u32 $0x4000, s31;
	s1 =	sadd.s32 s1, s30  }
0xba: {  	s0 =	sor.u32 s3, s0;
	s1 =	sshll.u32 s1, $0x11  }
0xbb: {  	s0 =	sor.u32 s1, s0  }
0xbc: {  	s0 =	sadd.s32 $0x8F2B, s0  }
0xbd: {  	[sflag:s0] =	ssyncadd.remote.s32 $0x1  }
0xbe: {  	_ =	sfence.sel $0xFFFF  }
0xbf: {  	[dreg:$0x0] =	wrdreg $0xFFFFFFFF;
	(pc) =	sbr.abs _section_cstart, $3  }
0xc0: {  	[dreg:$0x1] =	wrdreg $0xFFFFFFFF  }
0xc1: {  	_ =	task.clear_ibuf [dreg:s7], $0x2FFFF;
	_ =	strace $0x9FFFFFFF  }
0xc2: {  	(tm) =	ssettm $0x7FFFFFFF  }
0xc3: {  	_ =	shalt  }
tec
execute0_lowered:
.L_overlay_start_1:
0x0: {  	(tag) =	ssettag $0x1  }
0x1: {  	s1 =	srdreg.scid;
	s0 =	stileid.u32  }
0x2: {  	s7 =	sand.u32 $0x1, s1;
	s30 =	sshll.u32 s0, $0x1  }
0x3: {  	s5 =	sor.u32 s7, s30  }
0x4: {  	s2 =	rddreg [dreg:$0x0];
	s4 =	smin.u32 s5, $0x19  }
0x5: {  	s6 =	rddreg [dreg:$0x1];
	v0 =	vlaneseq.u32;
	s3 =	simm.s32 $0x0;
	s8 =	smul.u32 $0x1A, s4  }
0x6: {  	[smem:$0x7FF] =	sst s3;
	v62 =	vmul.u32 $0x1A0, v0;
	v3 =	vmov s4  }
0x7: {  	s1 =	rddreg [dreg:$0x2];
	v2 =	vmul.u32 $0x10, v0;
	_ =	strace $0x80000047;
	v33 =	vshll.u32 v3, $0x4;
	v1 =	vmov s8  }
0x8: {  	[tilespmem:s3], [sflag:$0x1] =	stream.linear.gather [hbm4b:s2+s3], $0x2A80, $0x38;
	v32 =	vshll.u32 v1, $0x4;
	v1 =	vadd.s32 v62, v33;
	[tilespmem:$0x2B00] =	vst v63  }
0x9: {  	s4 =	simm.s32 $0x1;
	v63 =	vadd.s32 v2, v32  }
0xa: {  	_ =	swait.ge [sflag:s4], $0x2A80;
	v43 =	vor.u32 $0x1, v1  }
0xb: {  	[sflag:s4] =	ssyncset.done $0x0;
	v44 =	vor.u32 $0x1, v63  }
0xc: {  	[sflag:s4] =	ssyncadd.s32 $0xFFFFD580;
	v4 =	vor.u32 $0x2, v1  }
0xd: {  	v5 =	vor.u32 $0x2, v63;
	v13 =	vld.idx.msk [tilespmem:v1+s3+$0x0], $0xffff  }
0xe: {  	v6 =	vor.u32 $0x3, v1;
	v12 =	vld.idx.msk [tilespmem:v63+s3+$0x0], $0xffff  }
0xf: {  	v7 =	vor.u32 $0x3, v63;
	v14 =	vld.idx.msk [tilespmem:v43+s3+$0x0], $0xffff  }
0x10: {  	v45 =	vor.u32 $0x4, v1;
	v15 =	vld.idx.msk [tilespmem:v44+s3+$0x0], $0xffff  }
0x11: {  	v46 =	vor.u32 $0x4, v63;
	v16 =	vld.idx.msk [tilespmem:v4+s3+$0x0], $0xffff  }
0x12: {  	v47 =	vor.u32 $0x5, v1;
	v17 =	vld.idx.msk [tilespmem:v5+s3+$0x0], $0xffff  }
0x13: {  	v48 =	vor.u32 $0x5, v63;
	v18 =	vld.idx.msk [tilespmem:v6+s3+$0x0], $0xffff;
	v19 =	vmul.f32 v13, v12  }
0x14: {  	v49 =	vor.u32 $0x6, v1;
	v20 =	vld.idx.msk [tilespmem:v7+s3+$0x0], $0xffff  }
0x15: {  	v50 =	vor.u32 $0x6, v63;
	v21 =	vld.idx.msk [tilespmem:v45+s3+$0x0], $0xffff;
	v22 =	vmul.f32 v14, v15;
	v19 =	vadd.f32 $0.0e+00, v19  }
0x16: {  	v51 =	vor.u32 $0x7, v1;
	v23 =	vld.idx.msk [tilespmem:v46+s3+$0x0], $0xffff  }
0x17: {  	v52 =	vor.u32 $0x7, v63;
	v24 =	vld.idx.msk [tilespmem:v47+s3+$0x0], $0xffff;
	v19 =	vadd.f32 v22, v19;
	v22 =	vmul.f32 v16, v17  }
0x18: {  	v53 =	vor.u32 $0x8, v1;
	v25 =	vld.idx.msk [tilespmem:v48+s3+$0x0], $0xffff  }
0x19: {  	v26 =	vld.idx.msk [tilespmem:v49+s3+$0x0], $0xffff;
	v20 =	vmul.f32 v18, v20;
	v17 =	vor.u32 $0x8, v63;
	v22 =	vadd.f32 v22, v19  }
0x1a: {  	v27 =	vld.idx.msk [tilespmem:v50+s3+$0x0], $0xffff;
	v18 =	vor.u32 $0x9, v1  }
0x1b: {  	v28 =	vld.idx.msk [tilespmem:v51+s3+$0x0], $0xffff;
	v23 =	vmul.f32 v21, v23;
	v19 =	vor.u32 $0x9, v63;
	v22 =	vadd.f32 v20, v22  }
0x1c: {  	v29 =	vimm.s32 $0x28A0;
	vm0 =	vcmask $0x300;
	v30 =	vld.idx.msk [tilespmem:v52+s3+$0x0], $0xffff;
	v21 =	vor.u32 $0xA, v63  }
0x1d: {  	v31 =	vld.idx.msk [tilespmem:v53+s3+$0x0], $0xffff;
	v24 =	vmul.f32 v24, v25;
	v20 =	vor.u32 $0xA, v1;
	v34 =	vadd.f32 v23, v22  }
0x1e: {  	vm1 =	vcmask $0x704;
	v25 =	vsel vm0, $0x1A00, v29;
	v29 =	vld.idx.msk [tilespmem:v17+s3+$0x0], $0xffff;
	v22 =	vor.u32 $0xB, v1  }
0x1f: {  	v26 =	vmul.f32 v26, v27;
	v35 =	vld.idx.msk [tilespmem:v18+s3+$0x0], $0xffff;
	v23 =	vor.u32 $0xB, v63;
	v34 =	vadd.f32 v24, v34  }
0x20: {  	vm2 =	vcmask $0xB08;
	v27 =	vsel vm1, $0x1BA0, v25;
	v25 =	vor.u32 $0xC, v63;
	v36 =	vld.idx.msk [tilespmem:v19+s3+$0x0], $0xffff  }
0x21: {  	v28 =	vmul.f32 v28, v30;
	v38 =	vld.idx.msk [tilespmem:v21+s3+$0x0], $0xffff;
	v24 =	vor.u32 $0xC, v1;
	v34 =	vadd.f32 v26, v34  }
0x22: {  	v30 =	vsel vm2, $0x1D40, v27;
	v27 =	vor.u32 $0xD, v63;
	v37 =	vld.idx.msk [tilespmem:v20+s3+$0x0], $0xffff  }
0x23: {  	v26 =	vor.u32 $0xD, v1;
	v31 =	vmul.f32 v31, v29;
	v39 =	vld.idx.msk [tilespmem:v22+s3+$0x0], $0xffff;
	v34 =	vadd.f32 v28, v34  }
0x24: {  	vm3 =	vcmask $0xF0C;
	vm4 =	vcmask $0x1310;
	v29 =	vor.u32 $0xE, v63;
	v41 =	vld.idx.msk [tilespmem:v23+s3+$0x0], $0xffff  }
0x25: {  	[tilespmem:$0x1FF70] =	vst v43;
	v43 =	vld.idx.msk [tilespmem:v25+s3+$0x0], $0xffff;
	v28 =	vor.u32 $0xE, v1;
	v35 =	vmul.f32 v35, v36;
	v34 =	vadd.f32 v31, v34  }
0x26: {  	v54 =	vimm.s32 $0x190;
	v40 =	vsel vm3, $0x1EE0, v30;
	v30 =	vor.u32 $0xF, v1;
	v42 =	vld.idx.msk [tilespmem:v24+s3+$0x0], $0xffff  }
0x27: {  	v57 =	vld.idx.msk [tilespmem:v27+s3+$0x0], $0xffff;
	v31 =	vor.u32 $0xF, v63;
	v55 =	vmul.f32 v37, v38;
	v34 =	vadd.f32 v35, v34  }
0x28: {  	vm5 =	vcmask $0x1714;
	[tilespmem:$0x1FF80] =	vst v44;
	v56 =	vsel vm4, $0x2080, v40;
	v36 =	vsel vm0, $0x100, v54;
	v44 =	vld.idx.msk [tilespmem:v26+s3+$0x0], $0xffff  }
0x29: {  	v36 =	vsel vm1, $0x110, v36;
	v60 =	vld.idx.msk [tilespmem:v29+s3+$0x0], $0xffff;
	v59 =	vmul.f32 v39, v41;
	v34 =	vadd.f32 v55, v34  }
0x2a: {  	vm13 =	vcmask $0x1B18;
	v37 =	vsel vm5, $0x2220, v56;
	v36 =	vsel vm2, $0x120, v36;
	v58 =	vld.idx.msk [tilespmem:v28+s3+$0x0], $0xffff  }
0x2b: {  	v61 =	vld.idx.msk [tilespmem:v30+s3+$0x0], $0xffff;
	v36 =	vsel vm3, $0x130, v36;
	v62 =	vmul.f32 v42, v43;
	v34 =	vadd.f32 v59, v34  }
0x2c: {  	vm14 =	vcmask $0x1F1C;
	v9 =	vmovc v63;
	v37 =	vsel vm13, $0x23C0, v37;
	v36 =	vsel vm4, $0x140, v36;
	v63 =	vld.idx.msk [tilespmem:v31+s3+$0x0], $0xffff  }
0x2d: {  	v36 =	vsel vm5, $0x150, v36;
	v0 =	vmul.f32 v44, v57;
	v34 =	vadd.f32 v62, v34  }
0x2e: {  	vm15 =	vcmask $0x2320;
	v37 =	vsel vm14, $0x2560, v37;
	v36 =	vsel vm13, $0x160, v36  }
0x2f: {  	v10 =	vmovc v1;
	v36 =	vsel vm14, $0x170, v36;
	v1 =	vmul.f32 v58, v60;
	v34 =	vadd.f32 v0, v34  }
0x30: {  	v37 =	vsel vm15, $0x2700, v37;
	v36 =	vsel vm15, $0x180, v36  }
0x31: {  	v32 =	vadd.s32 v36, v32;
	v2 =	vmul.f32 v61, v63;
	v35 =	vadd.f32 v1, v34  }
0x32: {  	v33 =	vadd.s32 v37, v33  }
0x33: {  	v34 =	vor.u32 $0x1, v32;
	v3 =	vadd.f32 v2, v35  }
0x34: {  	v35 =	vor.u32 $0x1, v33  }
0x35: {  	v36 =	vor.u32 $0x2, v32;
	[tilespmem:$0x2A80] =	vst v3  }
0x36: {  	[tilespmem:$0x1FF90] =	vst v4;
	v37 =	vor.u32 $0x2, v33;
	v4 =	vld.idx.msk [tilespmem:v32+s3+$0x0], $0xffff  }
0x37: {  	[tilespmem:$0x1FFD0] =	vst v45;
	v38 =	vor.u32 $0x3, v32;
	v45 =	vld.idx.msk [tilespmem:v33+s3+$0x0], $0xffff  }
0x38: {  	[tilespmem:$0x1FFE0] =	vst v46;
	v39 =	vor.u32 $0x3, v33;
	v46 =	vld.idx.msk [tilespmem:v34+s3+$0x0], $0xffff  }
0x39: {  	[tilespmem:$0x1FFF0] =	vst v47;
	v40 =	vor.u32 $0x4, v32;
	v47 =	vld.idx.msk [tilespmem:v35+s3+$0x0], $0xffff  }
0x3a: {  	v14 =	vmov v48;
	v41 =	vor.u32 $0x4, v33;
	v48 =	vld.idx.msk [tilespmem:v36+s3+$0x0], $0xffff  }
0x3b: {  	v11 =	vmov v49;
	v42 =	vor.u32 $0x5, v32;
	v49 =	vld.idx.msk [tilespmem:v37+s3+$0x0], $0xffff  }
0x3c: {  	v13 =	vmovc v51;
	v15 =	vmov v50;
	v43 =	vor.u32 $0x5, v33;
	v50 =	vld.idx.msk [tilespmem:v38+s3+$0x0], $0xffff;
	v51 =	vmul.f32 v45, v4  }
0x3d: {  	v16 =	vmov v52;
	v44 =	vor.u32 $0x6, v32;
	v52 =	vld.idx.msk [tilespmem:v39+s3+$0x0], $0xffff  }
0x3e: {  	v12 =	vmovc v53;
	v53 =	vld.idx.msk [tilespmem:v40+s3+$0x0], $0xffff;
	v45 =	vor.u32 $0x6, v33;
	v51 =	vadd.f32 $0.0e+00, v51;
	v54 =	vmul.f32 v47, v46  }
0x3f: {  	v55 =	vld.idx.msk [tilespmem:v41+s3+$0x0], $0xffff;
	v46 =	vor.u32 $0x7, v32  }
0x40: {  	[tilespmem:$0x1FFA0] =	vst v5;
	v56 =	vld.idx.msk [tilespmem:v42+s3+$0x0], $0xffff;
	v5 =	vmul.f32 v49, v48;
	v47 =	vor.u32 $0x7, v33;
	v51 =	vadd.f32 v54, v51  }
0x41: {  	v57 =	vld.idx.msk [tilespmem:v43+s3+$0x0], $0xffff;
	v48 =	vor.u32 $0x8, v32  }
0x42: {  	[tilespmem:$0x1FFB0] =	vst v6;
	v6 =	vld.idx.msk [tilespmem:v44+s3+$0x0], $0xffff;
	v49 =	vor.u32 $0x8, v33;
	v52 =	vmul.f32 v52, v50;
	v54 =	vadd.f32 v5, v51  }
0x43: {  	v50 =	vor.u32 $0x9, v32;
	v58 =	vld.idx.msk [tilespmem:v45+s3+$0x0], $0xffff  }
0x44: {  	v55 =	vmul.f32 v55, v53;
	v51 =	vor.u32 $0x9, v33;
	v1 =	vld.idx.msk [tilespmem:v46+s3+$0x0], $0xffff;
	v54 =	vadd.f32 v52, v54  }
0x45: {  	v53 =	vor.u32 $0xA, v33;
	v61 =	vld.idx.msk [tilespmem:v47+s3+$0x0], $0xffff  }
0x46: {  	v56 =	vmul.f32 v57, v56;
	v2 =	vld.idx.msk [tilespmem:v48+s3+$0x0], $0xffff;
	v52 =	vor.u32 $0xA, v32;
	v63 =	vadd.f32 v55, v54  }
0x47: {  	v60 =	vld.idx.msk [tilespmem:v49+s3+$0x0], $0xffff;
	v54 =	vor.u32 $0xB, v32  }
0x48: {  	v3 =	vld.idx.msk [tilespmem:v50+s3+$0x0], $0xffff;
	v55 =	vor.u32 $0xB, v33;
	v58 =	vmul.f32 v58, v6;
	v57 =	vadd.f32 v56, v63  }
0x49: {  	v4 =	vld.idx.msk [tilespmem:v51+s3+$0x0], $0xffff;
	v56 =	vor.u32 $0xC, v32  }
0x4a: {  	v5 =	vld.idx.msk [tilespmem:v53+s3+$0x0], $0xffff;
	v61 =	vmul.f32 v61, v1;
	v59 =	vadd.f32 v58, v57;
	v57 =	vor.u32 $0xC, v33  }
0x4b: {  	v0 =	vld.idx.msk [tilespmem:v52+s3+$0x0], $0xffff;
	v58 =	vor.u32 $0xD, v32  }
0x4c: {  	[tilespmem:$0x1FFC0] =	vst v7;
	v7 =	vmul.f32 v60, v2;
	v1 =	vld.idx.msk [tilespmem:v54+s3+$0x0], $0xffff;
	v62 =	vadd.f32 v61, v59;
	v59 =	vor.u32 $0xD, v33  }
0x4d: {  	v60 =	vor.u32 $0xE, v32;
	v2 =	vld.idx.msk [tilespmem:v55+s3+$0x0], $0xffff  }
0x4e: {  	v63 =	vmul.f32 v4, v3;
	v61 =	vor.u32 $0xE, v33;
	v3 =	vld.idx.msk [tilespmem:v56+s3+$0x0], $0xffff;
	v6 =	vadd.f32 v7, v62  }
0x4f: {  	v62 =	vor.u32 $0xF, v32;
	v4 =	vld.idx.msk [tilespmem:v57+s3+$0x0], $0xffff  }
0x50: {  	v7 =	vmul.f32 v5, v0;
	v0 =	vld.idx.msk [tilespmem:v58+s3+$0x0], $0xffff;
	v6 =	vadd.f32 v63, v6;
	v63 =	vor.u32 $0xF, v33  }
0x51: {  	v5 =	vld.idx.msk [tilespmem:v59+s3+$0x0], $0xffff  }
0x52: {  	v2 =	vmul.f32 v2, v1;
	v1 =	vld.idx.msk [tilespmem:v60+s3+$0x0], $0xffff;
	v7 =	vadd.f32 v7, v6  }
0x53: {  	v6 =	vld.idx.msk [tilespmem:v61+s3+$0x0], $0xffff  }
0x54: {  	v2 =	vadd.f32 v2, v7;
	v7 =	vmul.f32 v4, v3;
	v3 =	vld.idx.msk [tilespmem:v62+s3+$0x0], $0xffff  }
0x55: {  	s7 =	ssub.s32 $0x2, s7;
	v4 =	vld.idx.msk [tilespmem:v63+s3+$0x0], $0xffff  }
0x56: {  	s31 =	sshrl.u32 s7, $0x1;
	v7 =	vadd.f32 v7, v2;
	v5 =	vmul.f32 v5, v0  }
0x57: {  	s7 =	ssub.s32 s7, s31  }
0x58: {  	s7 =	smax.u32 s7, $0x1;
	v6 =	vmul.f32 v6, v1;
	v0 =	vadd.f32 v5, v7  }
0x59: {  	p0 =	sne.s32 s7, $0x1  }
.Ltmp0:
0x5a: {  	v0 =	vadd.f32 v6, v0;
	v7 =	vmul.f32 v4, v3;
	(pc) =	sbr.rel @!p0 .LBB2_2-.Ltmp0, $4  }
0x5b: {  	_ = 	snop  }
0x5c: {  	s5 =	sshll.u32 s5, $0x2;
	v2 =	vadd.f32 v7, v0  }
0x5d: {  	s5 =	sadd.s32 s5, s6  }
0x5e: {  	s6 =	simm.s32 $0x2A80;
	s5 =	sadd.s32 $0x600, s5;
	s7 =	sadd.s32 $0xFFFFFFFF, s7;
	[tilespmem:$0x2A90] =	vst v2  }
.LBB2_1:
0x5f: {  	[hbm4b:s5+s3] =	stream.linear.scatter [tilespmem:s6], [sflag:$0x1], $0x20, $0x38;
	[tilespmem:$0x2B00] =	vst v63  }
0x60: {  	_ =	swait.ge [sflag:s4], $0x20  }
0x61: {  	[sflag:s4] =	ssyncset.done $0x0  }
0x62: {  	[sflag:s4] =	ssyncadd.s32 $0xFFFFFFE0  }
0x63: {  	[tilespmem:s3], [sflag:$0x1] =	stream.linear.gather [hbm4b:s2+s3], $0x2A80, $0x38;
	[tilespmem:$0x2B00] =	vst v63  }
0x64: {  	_ =	swait.ge [sflag:s4], $0x2A80  }
0x65: {  	v0 =	vld [tilespmem:$0x1FF70];
	_ =	sdelay $0x2  }
0x66: {  	v1 =	vld [tilespmem:$0x1FF80]  }
0x67: {  	v6 =	vld [tilespmem:$0x1FF90]  }
0x68: {  	[sflag:s4] =	ssyncset.done $0x0  }
0x69: {  	v7 =	vld [tilespmem:$0x1FFC0];
	[sflag:s4] =	ssyncadd.s32 $0xFFFFD580  }
0x6a: {  	v3 =	vld.idx.msk [tilespmem:v9+s3+$0x0], $0xffff  }
0x6b: {  	v2 =	vld.idx.msk [tilespmem:v0+s3+$0x0], $0xffff  }
0x6c: {  	v0 =	vld.idx.msk [tilespmem:v10+s3+$0x0], $0xffff  }
0x6d: {  	v5 =	vld [tilespmem:$0x1FFA0]  }
0x6e: {  	v4 =	vld.idx.msk [tilespmem:v1+s3+$0x0], $0xffff  }
0x6f: {  	v1 =	vld.idx.msk [tilespmem:v6+s3+$0x0], $0xffff  }
0x70: {  	v6 =	vld [tilespmem:$0x1FFB0]  }
0x71: {  	v0 =	vmul.f32 v0, v3;
	v3 =	vld.idx.msk [tilespmem:v7+s3+$0x0], $0xffff  }
0x72: {  	v7 =	vld [tilespmem:$0x1FFD0]  }
0x73: {  	v2 =	vmul.f32 v2, v4;
	v4 =	vld [tilespmem:$0x1FFE0]  }
0x74: {  	v8 =	vld [tilespmem:$0x1FFF0];
	_ =	sdelay $0x2  }
0x75: {  	v5 =	vld.idx.msk [tilespmem:v5+s3+$0x0], $0xffff;
	_ =	sdelay $0x1  }
0x76: {  	v6 =	vld.idx.msk [tilespmem:v6+s3+$0x0], $0xffff  }
0x77: {  	v0 =	vadd.f32 $0.0e+00, v0;
	v7 =	vld.idx.msk [tilespmem:v7+s3+$0x0], $0xffff  }
0x78: {  	v4 =	vld.idx.msk [tilespmem:v4+s3+$0x0], $0xffff  }
0x79: {  	v8 =	vld.idx.msk [tilespmem:v8+s3+$0x0], $0xffff;
	v1 =	vmul.f32 v1, v5;
	v0 =	vadd.f32 v2, v0  }
0x7a: {  	v2 =	vld.idx.msk [tilespmem:v14+s3+$0x0], $0xffff  }
0x7b: {  	v5 =	vld.idx.msk [tilespmem:v11+s3+$0x0], $0xffff;
	v0 =	vadd.f32 v1, v0;
	v1 =	vmul.f32 v6, v3  }
0x7c: {  	v3 =	vld.idx.msk [tilespmem:v15+s3+$0x0], $0xffff  }
0x7d: {  	v6 =	vld.idx.msk [tilespmem:v13+s3+$0x0], $0xffff;
	v0 =	vadd.f32 v1, v0;
	v1 =	vmul.f32 v7, v4  }
0x7e: {  	v4 =	vld.idx.msk [tilespmem:v16+s3+$0x0], $0xffff  }
0x7f: {  	v7 =	vld.idx.msk [tilespmem:v12+s3+$0x0], $0xffff;
	v0 =	vadd.f32 v1, v0;
	v1 =	vmul.f32 v8, v2  }
0x80: {  	v2 =	vld.idx.msk [tilespmem:v17+s3+$0x0], $0xffff  }
0x81: {  	v8 =	vld.idx.msk [tilespmem:v18+s3+$0x0], $0xffff;
	v0 =	vadd.f32 v1, v0;
	v1 =	vmul.f32 v5, v3  }
0x82: {  	v3 =	vld.idx.msk [tilespmem:v19+s3+$0x0], $0xffff  }
0x83: {  	v5 =	vld.idx.msk [tilespmem:v20+s3+$0x0], $0xffff;
	v0 =	vadd.f32 v1, v0;
	v1 =	vmul.f32 v6, v4  }
0x84: {  	v4 =	vld.idx.msk [tilespmem:v21+s3+$0x0], $0xffff  }
0x85: {  	v6 =	vld.idx.msk [tilespmem:v22+s3+$0x0], $0xffff;
	v0 =	vadd.f32 v1, v0;
	v1 =	vmul.f32 v7, v2  }
0x86: {  	v2 =	vld.idx.msk [tilespmem:v23+s3+$0x0], $0xffff  }
0x87: {  	v7 =	vld.idx.msk [tilespmem:v24+s3+$0x0], $0xffff;
	v0 =	vadd.f32 v1, v0;
	v1 =	vmul.f32 v8, v3  }
0x88: {  	v3 =	vld.idx.msk [tilespmem:v25+s3+$0x0], $0xffff  }
0x89: {  	v8 =	vld.idx.msk [tilespmem:v26+s3+$0x0], $0xffff;
	v0 =	vadd.f32 v1, v0;
	v1 =	vmul.f32 v5, v4  }
0x8a: {  	v4 =	vld.idx.msk [tilespmem:v27+s3+$0x0], $0xffff  }
0x8b: {  	v5 =	vld.idx.msk [tilespmem:v28+s3+$0x0], $0xffff;
	v0 =	vadd.f32 v1, v0;
	v1 =	vmul.f32 v6, v2  }
0x8c: {  	v2 =	vld.idx.msk [tilespmem:v29+s3+$0x0], $0xffff  }
0x8d: {  	v6 =	vld.idx.msk [tilespmem:v30+s3+$0x0], $0xffff;
	v0 =	vadd.f32 v1, v0;
	v1 =	vmul.f32 v7, v3  }
0x8e: {  	v7 =	vld.idx.msk [tilespmem:v31+s3+$0x0], $0xffff  }
0x8f: {  	v4 =	vmul.f32 v8, v4;
	v0 =	vadd.f32 v1, v0;
	_ =	sdelay $0x1  }
0x90: {  	v5 =	vmul.f32 v5, v2;
	v0 =	vadd.f32 v4, v0;
	_ =	sdelay $0x1  }
0x91: {  	v6 =	vmul.f32 v6, v7;
	v0 =	vadd.f32 v5, v0;
	_ =	sdelay $0x1  }
0x92: {  	v0 =	vadd.f32 v6, v0;
	_ =	sdelay $0x1  }
0x93: {  	[tilespmem:$0x2A80] =	vst v0  }
0x94: {  	v0 =	vld.idx.msk [tilespmem:v32+s3+$0x0], $0xffff  }
0x95: {  	v1 =	vld.idx.msk [tilespmem:v33+s3+$0x0], $0xffff  }
0x96: {  	v2 =	vld.idx.msk [tilespmem:v34+s3+$0x0], $0xffff  }
0x97: {  	v3 =	vld.idx.msk [tilespmem:v35+s3+$0x0], $0xffff  }
0x98: {  	v4 =	vld.idx.msk [tilespmem:v36+s3+$0x0], $0xffff  }
0x99: {  	v5 =	vld.idx.msk [tilespmem:v37+s3+$0x0], $0xffff  }
0x9a: {  	v6 =	vld.idx.msk [tilespmem:v38+s3+$0x0], $0xffff;
	v0 =	vmul.f32 v1, v0  }
0x9b: {  	v1 =	vld.idx.msk [tilespmem:v39+s3+$0x0], $0xffff  }
0x9c: {  	v7 =	vld.idx.msk [tilespmem:v40+s3+$0x0], $0xffff;
	v2 =	vmul.f32 v3, v2;
	v0 =	vadd.f32 $0.0e+00, v0  }
0x9d: {  	v3 =	vld.idx.msk [tilespmem:v41+s3+$0x0], $0xffff  }
0x9e: {  	v8 =	vld.idx.msk [tilespmem:v42+s3+$0x0], $0xffff;
	v0 =	vadd.f32 v2, v0;
	v2 =	vmul.f32 v5, v4  }
0x9f: {  	v4 =	vld.idx.msk [tilespmem:v43+s3+$0x0], $0xffff  }
0xa0: {  	v5 =	vld.idx.msk [tilespmem:v44+s3+$0x0], $0xffff;
	v1 =	vmul.f32 v1, v6;
	v0 =	vadd.f32 v2, v0  }
0xa1: {  	v2 =	vld.idx.msk [tilespmem:v45+s3+$0x0], $0xffff  }
0xa2: {  	v6 =	vld.idx.msk [tilespmem:v46+s3+$0x0], $0xffff;
	v0 =	vadd.f32 v1, v0;
	v1 =	vmul.f32 v3, v7  }
0xa3: {  	v3 =	vld.idx.msk [tilespmem:v47+s3+$0x0], $0xffff  }
0xa4: {  	v7 =	vld.idx.msk [tilespmem:v48+s3+$0x0], $0xffff;
	v0 =	vadd.f32 v1, v0;
	v1 =	vmul.f32 v4, v8  }
0xa5: {  	v4 =	vld.idx.msk [tilespmem:v49+s3+$0x0], $0xffff  }
0xa6: {  	v8 =	vld.idx.msk [tilespmem:v50+s3+$0x0], $0xffff;
	v0 =	vadd.f32 v1, v0;
	v1 =	vmul.f32 v2, v5  }
0xa7: {  	v2 =	vld.idx.msk [tilespmem:v51+s3+$0x0], $0xffff  }
0xa8: {  	v5 =	vld.idx.msk [tilespmem:v52+s3+$0x0], $0xffff;
	v0 =	vadd.f32 v1, v0;
	v1 =	vmul.f32 v3, v6  }
0xa9: {  	v3 =	vld.idx.msk [tilespmem:v53+s3+$0x0], $0xffff  }
0xaa: {  	v6 =	vld.idx.msk [tilespmem:v54+s3+$0x0], $0xffff;
	v0 =	vadd.f32 v1, v0;
	v1 =	vmul.f32 v4, v7  }
0xab: {  	v4 =	vld.idx.msk [tilespmem:v55+s3+$0x0], $0xffff  }
0xac: {  	v7 =	vld.idx.msk [tilespmem:v56+s3+$0x0], $0xffff;
	v0 =	vadd.f32 v1, v0;
	v1 =	vmul.f32 v2, v8  }
0xad: {  	v2 =	vld.idx.msk [tilespmem:v57+s3+$0x0], $0xffff  }
0xae: {  	v8 =	vld.idx.msk [tilespmem:v58+s3+$0x0], $0xffff;
	v0 =	vadd.f32 v1, v0;
	v1 =	vmul.f32 v3, v5  }
0xaf: {  	v3 =	vld.idx.msk [tilespmem:v59+s3+$0x0], $0xffff  }
0xb0: {  	v5 =	vld.idx.msk [tilespmem:v60+s3+$0x0], $0xffff;
	v0 =	vadd.f32 v1, v0;
	v1 =	vmul.f32 v4, v6  }
0xb1: {  	v4 =	vld.idx.msk [tilespmem:v61+s3+$0x0], $0xffff  }
0xb2: {  	v6 =	vld.idx.msk [tilespmem:v62+s3+$0x0], $0xffff;
	v7 =	vmul.f32 v2, v7;
	v0 =	vadd.f32 v1, v0  }
0xb3: {  	v2 =	vld.idx.msk [tilespmem:v63+s3+$0x0], $0xffff  }
0xb4: {  	v0 =	vadd.f32 v7, v0;
	v7 =	vmul.f32 v3, v8;
	_ =	sdelay $0x1  }
0xb5: {  	v5 =	vmul.f32 v4, v5;
	v0 =	vadd.f32 v7, v0  }
0xb6: {  	p0 =	sne.s32 s7, $0x1  }
.Ltmp1:
0xb7: {  	v7 =	vmul.f32 v2, v6;
	v0 =	vadd.f32 v5, v0;
	(pc) =	sbr.rel @p0 .LBB2_1-.Ltmp1, $3  }
0xb8: {  	_ = 	snop  }
0xb9: {  	v0 =	vadd.f32 v7, v0;
	_ =	sdelay $0x1  }
0xba: {  	s7 =	sadd.s32 $0xFFFFFFFF, s7;
	[tilespmem:$0x2A90] =	vst v0  }
.LBB2_2:
0xbb: {  	[hbm4b:s5+s3] =	stream.linear.scatter [tilespmem:s6], [sflag:$0x1], $0x20, $0x38;
	[tilespmem:$0x2B00] =	vst v63  }
0xbc: {  	_ =	swait.ge [sflag:s4], $0x20  }
0xbd: {  	[sflag:s4] =	ssyncset.done $0x0  }
0xbe: {  	[sflag:s4] =	ssyncadd.s32 $0xFFFFFFE0  }
0xbf: {  	_ =	sfence.sel $0x180000  }
0xc0: {  	[bflag:$0x0] =	sbarrier.arrive $0xFFFF  }
0xc1: {  	p0 =	sne.s32 s0, $0x0;
	_ =	strace $0x90000047  }
0xc2: {  	s0 =	sadd.s32 @!p0 $0x100000, s1;
	[bflag:$0x2] =	sbarrier.arrive $0xFFFF  }
0xc3: {  	[sflag:s0] =	ssyncadd.tile.s32 @!p0 $0x1;
	_ =	shalt  }
.Lfunc_end2:
_tile_overlayer_lowered:
.L_overlay_start_2:
0xc4: {  	(tag) =	ssettag $0x2  }
0xc5: {  	s0 =	rddreg [dreg:$0x0];
	s2 =	stileid.u32  }
0xc6: {  	s1 =	rddreg [dreg:$0x1];
	p0 =	sne.s32 s2, $0x0  }
0xc7: {  	s3 =	rddreg [dreg:$0x2];
	[bflag:$0x3] =	sbarrier.arrive $0xFFFF;
	s2 =	simm.s32 @!p0 $0x1C01  }
0xc8: {  	[timem:s3], [sflag:s2] =	dma.local @!p0 [hbm:s0], s1  }
0xc9: {  	s0 =	simm.s32 @!p0 $0x1  }
0xca: {  	_ =	swait.ge @!p0 [sflag:s0], s1  }
0xcb: {  	s1 =	ssub.s32 @!p0 $0x0, s1;
	[sflag:s0] =	ssyncset.done @!p0 $0x0  }
0xcc: {  	[sflag:s0] =	ssyncadd.s32 @!p0 s1  }
0xcd: {  	[bflag:$0x3] =	sbarrier.arrive $0xFFFF  }
0xce: {  	_ =	shalt  }

</sc_bundles>
